<compile_context>
chip_gen: v7x
topology: tpu7x:2x2x1
jax: 0.10.2.dev20260603
libtpu: 0.0.44.dev20260713+nightly
codegen_flags: <defaults>
</compile_context>

<pallas_src>
import functools

import jax
import jax.numpy as jnp
from jax import lax
from jax.experimental import pallas as pl
from jax.experimental.pallas import tpu as pltpu
from jax.experimental.pallas import tpu_sc as plsc

_NSMALL = 16
_NCOPY = 32
_NDUP = _NSMALL * _NCOPY


def _positions_kernel(ids_ref, digits_ref, out_ref):
    ids = ids_ref[:, :]
    B, S = ids.shape
    mask = (ids >= digits_ref[0]) & (ids <= digits_ref[9])
    s_iota = lax.broadcasted_iota(jnp.int32, (B, S), 1)
    nm = jnp.where(mask, jnp.int32(-1), s_iota)
    d = 1
    while d < 1024:
        shifted = jnp.concatenate(
            [jnp.full((B, d), -1, jnp.int32), nm[:, :-d]], axis=1
        )
        nm = jnp.maximum(nm, shifted)
        d *= 2
    pos = jnp.where(mask, s_iota - nm, jnp.int32(0))
    pos = jnp.minimum(pos, jnp.int32(1023))
    b_iota = lax.broadcasted_iota(jnp.int32, (B, S), 0)
    spread = (s_iota + 8 * b_iota) & jnp.int32(_NCOPY - 1)
    pm = jnp.where(
        pos == 0,
        jnp.int32(0),
        jnp.where(pos < _NSMALL, spread * _NSMALL + pos, _NDUP + pos),
    )
    out_ref[:, :] = pm.reshape(out_ref.shape)


def _compute_patchmap(input_ids, digits):
    B, S = input_ids.shape
    return pl.pallas_call(
        _positions_kernel,
        out_shape=jax.ShapeDtypeStruct((32, (B * S) // 32), jnp.int32),
        in_specs=[
            pl.BlockSpec(memory_space=pltpu.VMEM),
            pl.BlockSpec(memory_space=pltpu.SMEM),
        ],
        out_specs=pl.BlockSpec(memory_space=pltpu.VMEM),
    )(input_ids, digits)


_BLK = 128


def _build_table_kernel(emb_ref, out_ref):
    blk = emb_ref[...]
    out_ref[...] = jnp.concatenate(
        [blk[:_NSMALL, :]] * (_BLK // _NSMALL), axis=0
    )


def _build_table(embedding):
    V, D = embedding.shape
    return pl.pallas_call(
        _build_table_kernel,
        grid=(_NDUP // _BLK,),
        in_specs=[pl.BlockSpec((_BLK, D), lambda g: (0, 0))],
        out_specs=pl.BlockSpec((_BLK, D), lambda g: (g, 0)),
        out_shape=jax.ShapeDtypeStruct((_NDUP, D), jnp.float32),
    )(embedding)


def _make_scatter_gather(D, B):
    info = plsc.get_sparse_core_info()
    NC, NS, L = info.num_cores, info.num_subcores, info.num_lanes
    NW = NC * NS
    b_per_w = B // NW
    PCH = 32
    n_pre = b_per_w // PCH
    n_grp = b_per_w // L
    mesh = plsc.VectorSubcoreMesh(core_axis_name="c", subcore_axis_name="s")

    @functools.partial(
        pl.kernel,
        mesh=mesh,
        compiler_params=pltpu.CompilerParams(needs_layout_passes=False),
        out_type=jax.ShapeDtypeStruct((B, D), jnp.float32),
        scratch_types=[
            pltpu.VMEM((b_per_w,), jnp.int32),
            pltpu.VMEM((PCH,), jnp.int32),
            pltpu.VMEM((PCH, D), jnp.float32),
            pltpu.VMEM((b_per_w + L,), jnp.int32),
            pltpu.VMEM((b_per_w + L,), jnp.int32),
            pltpu.VMEM((b_per_w + L,), jnp.int32),
            pltpu.VMEM((b_per_w + L,), jnp.int32),
            pltpu.VMEM((L,), jnp.int32),
            pltpu.VMEM((L,), jnp.int32),
            pltpu.VMEM((L,), jnp.int32),
            pltpu.VMEM((L,), jnp.int32),
            pltpu.VMEM((L, D), jnp.float32),
            pltpu.VMEM((L, D), jnp.float32),
            pltpu.SemaphoreType.DMA,
            pltpu.SemaphoreType.DMA,
            pltpu.SemaphoreType.DMA,
        ],
    )
    def run(dup_hbm, emb_hbm, pmap_hbm, out_hbm, pmap_v, pidx_v, pbuf,
            spos_v, srow_v, bpos_v, brow_v, st0, so0, st1, so1, pv0, pv1,
            g0, g1, ssem):
        wid = lax.axis_index("s") * NC + lax.axis_index("c")
        base = wid * b_per_w
        lanes = lax.iota(jnp.int32, L)
        sts, sos, pvs, gsems = [st0, st1], [so0, so1], [pv0, pv1], [g0, g1]

        for j in range(PCH // L):
            k = (wid + j * L + lanes) & (_NCOPY - 1)
            pidx_v[pl.ds(j * L, L)] = k * _NSMALL
        hpre = pltpu.async_copy(dup_hbm.at[pidx_v], pbuf, g0)
        pltpu.sync_copy(pmap_hbm.at[wid], pmap_v)
        hpre.wait()

        hs = [
            pltpu.async_copy(
                pbuf, out_hbm.at[pl.ds(base + c * PCH, PCH)], ssem
            )
            for c in range(n_pre)
        ]

        def _comp(g, carry):
            offs, offb = carry
            vals = pmap_v[pl.ds(g * L, L)]
            outrow = base + g * L + lanes
            ms = (vals > 0) & (vals < _NDUP)
            incs = plsc.cumsum(ms.astype(jnp.int32))
            slots = offs + incs - 1
            plsc.store_scatter(spos_v, [slots], outrow, mask=ms)
            plsc.store_scatter(srow_v, [slots], vals, mask=ms)
            mb = vals >= _NDUP
            incb = plsc.cumsum(mb.astype(jnp.int32))
            slotb = offb + incb - 1
            plsc.store_scatter(bpos_v, [slotb], outrow, mask=mb)
            plsc.store_scatter(brow_v, [slotb], vals - _NDUP, mask=mb)
            return (offs + jnp.max(incs), offb + jnp.max(incb))

        offs, offb = lax.fori_loop(
            0, n_grp, _comp, (jnp.int32(0), jnp.int32(0))
        )

        zeros = jnp.zeros((L,), jnp.int32)
        ones = jnp.ones((L,), jnp.bool_)

        @pl.when(offs > 0)
        def _pads():
            plsc.store_scatter(
                spos_v, [offs + lanes],
                plsc.load_gather(spos_v, [zeros], mask=ones), mask=ones,
            )
            plsc.store_scatter(
                srow_v, [offs + lanes],
                plsc.load_gather(srow_v, [zeros], mask=ones), mask=ones,
            )

        @pl.when(offb > 0)
        def _padb():
            plsc.store_scatter(
                bpos_v, [offb + lanes],
                plsc.load_gather(bpos_v, [zeros], mask=ones), mask=ones,
            )
            plsc.store_scatter(
                brow_v, [offb + lanes],
                plsc.load_gather(brow_v, [zeros], mask=ones), mask=ones,
            )

        for i in range(2):
            @pl.when(i * L < offs)
            def _pg(i=i):
                sts[i][...] = srow_v[pl.ds(i * L, L)]
                sos[i][...] = spos_v[pl.ds(i * L, L)]
                pltpu.async_copy(dup_hbm.at[sts[i]], pvs[i], gsems[i])

        for h in hs:
            h.wait()

        def _spair(j, carry):
            for s in range(2):
                i = 2 * j + s

                @pl.when(i * L < offs)
                def _batch(i=i, s=s):
                    pltpu.make_async_copy(
                        dup_hbm.at[sts[s]], pvs[s], gsems[s]
                    ).wait()
                    pltpu.async_copy(
                        pvs[s], out_hbm.at[sos[s]], ssem
                    ).wait()

                @pl.when((i + 2) * L < offs)
                def _pg2(i=i, s=s):
                    sts[s][...] = srow_v[pl.ds((i + 2) * L, L)]
                    sos[s][...] = spos_v[pl.ds((i + 2) * L, L)]
                    pltpu.async_copy(dup_hbm.at[sts[s]], pvs[s], gsems[s])

            return carry

        lax.fori_loop(0, n_grp // 2, _spair, jnp.int32(0))

        def _bbatch(i, carry):
            st0[...] = brow_v[pl.ds(i * L, L)]
            so0[...] = bpos_v[pl.ds(i * L, L)]
            pltpu.async_copy(emb_hbm.at[st0], pv0, g0).wait()
            pltpu.async_copy(pv0, out_hbm.at[so0], ssem).wait()
            return carry

        n_big = lax.div(offb + jnp.int32(L - 1), jnp.int32(L))
        lax.fori_loop(0, n_big, _bbatch, jnp.int32(0))

    def call(dup, emb, pmap):
        return run(dup, emb, pmap)

    return call


def kernel(input_ids, embedding, digits):
    B, S = input_ids.shape
    V, D = embedding.shape
    pmap = _compute_patchmap(input_ids, digits)
    dup = _build_table(embedding)
    out = _make_scatter_gather(D, B * S)(dup, embedding, pmap)
    return out.reshape(B, S, D)

# --- scband reference (transcript-rebuilt; emitter-appended) ---
"""Pipeline reference for scband-abacus-5866925326483 (READ-ONLY COPY).

The authoritative reference and input builder live on the scoring server;
editing this copy changes nothing except your own understanding.
"""

import jax, jax.numpy as jnp
import numpy as np


def setup_inputs(seed: int = 0) -> dict:
    key = jax.random.key(seed)
    k1, k2 = jax.random.split(key)
    # forward arg: a batch of token ids; vocab of 100 so digit tokens (15..24) appear ~10% of the time,
    # producing realistic short runs of consecutive digits
    input_ids = jax.random.randint(k1, (4, 2048), 0, 100, dtype=jnp.int32)
    # learned parameter: positional digit embedding table [max_seq_length=1024, embedding_dim=1024]
    embedding = jax.random.normal(k2, (1024, 1024), dtype=jnp.float32) * 0.02
    # buffer: the 10 digit token ids
    digits = jnp.arange(15, 25, dtype=jnp.int32)
    return {"input_ids": input_ids, "embedding": embedding, "digits": digits}


def reference(input_ids, embedding, digits):
    # Faithful JAX translation of Abacus.forward in eval mode (self.training=False -> k=0).
    B, S = input_ids.shape
    # mask = torch.isin(input_ids, self.digits)
    mask = (input_ids[:, :, None] == digits[None, None, :]).any(axis=-1)
    # --- helper(mask): convert binary digit mask into within-run positions (1-indexed) ---
    shifted_mask = jnp.concatenate(
        [jnp.zeros((B, 1), dtype=mask.dtype), mask[:, :-1]], axis=1
    )
    starts = (shifted_mask != mask) & mask
    segment_ids = jnp.cumsum(starts.astype(jnp.int32), axis=1)
    index = jnp.broadcast_to(jnp.arange(S, dtype=jnp.int32), (B, S))
    second_term = index * starts.astype(jnp.int32)
    # reset_index.scatter_add(1, segment_ids, second_term)
    rows = jnp.arange(B, dtype=jnp.int32)[:, None]
    reset_index = jnp.zeros((B, S), dtype=jnp.int32).at[rows, segment_ids].add(second_term)
    # reset_index.gather(1, segment_ids)
    gathered = jnp.take_along_axis(reset_index, segment_ids, axis=1)
    positions = index - gathered + 1
    result = positions * mask.astype(jnp.int32)
    # eval mode: k = 0, no random shift
    # self.embedding(output)
    return jnp.take(embedding, result, axis=0)

if __name__ == "__main__":
    import jax
    _d = setup_inputs()
    print(jax.jit(kernel)(*tuple(_d.values())))

</pallas_src>

<mosaic_0001>
#map = affine_map<(d0, d1) -> (0, 0)>
module attributes {stable_mosaic.version = 14 : i64} {
  func.func @run(%arg0: i32, %arg1: i32, %arg2: memref<512x1024xf32, #tpu.memory_space<hbm>>, %arg3: memref<1024x1024xf32, #tpu.memory_space<hbm>>, %arg4: memref<32x256xi32, #tpu.memory_space<hbm>>, %arg5: memref<8192x1024xf32, #tpu.memory_space<hbm>>, %arg6: memref<256xi32, #tpu.memory_space<vmem>>, %arg7: memref<32xi32, #tpu.memory_space<vmem>>, %arg8: memref<32x1024xf32, #tpu.memory_space<vmem>>, %arg9: memref<272xi32, #tpu.memory_space<vmem>>, %arg10: memref<272xi32, #tpu.memory_space<vmem>>, %arg11: memref<272xi32, #tpu.memory_space<vmem>>, %arg12: memref<272xi32, #tpu.memory_space<vmem>>, %arg13: memref<16xi32, #tpu.memory_space<vmem>>, %arg14: memref<16xi32, #tpu.memory_space<vmem>>, %arg15: memref<16xi32, #tpu.memory_space<vmem>>, %arg16: memref<16xi32, #tpu.memory_space<vmem>>, %arg17: memref<16x1024xf32, #tpu.memory_space<vmem>>, %arg18: memref<16x1024xf32, #tpu.memory_space<vmem>>, %arg19: memref<!tpu.dma_semaphore, #tpu.memory_space<semaphore_mem>>, %arg20: memref<!tpu.dma_semaphore, #tpu.memory_space<semaphore_mem>>, %arg21: memref<!tpu.dma_semaphore, #tpu.memory_space<semaphore_mem>>) attributes {dimension_semantics = [#tpu.dimension_semantics<core_parallel>, #tpu.dimension_semantics<subcore_parallel>], iteration_bounds = array<i64: 2, 16>, scalar_prefetch = 0 : i64, scratch_operands = 16 : i64, tpu.core_type = #tpu.core_type<sc_vector_subcore>, window_params = [{transform_indices = #map}, {transform_indices = #map}, {transform_indices = #map}, {transform_indices = #map}]} {
    %mul3A = arith.constant 2 : i32
    %mul3A_0 = arith.muli %arg1, %mul3A : i32
    %add3A = arith.addi %mul3A_0, %arg0 : i32
    %mul3A_1 = arith.constant 256 : i32
    %mul3A_2 = arith.muli %add3A, %mul3A_1 : i32
    %iota3A = tpu.iota {dimensions = array<i32: 0>} : vector<16xi32>
    %add3A_3 = arith.constant 0 : i32
    %add3A_4 = arith.addi %add3A, %add3A_3 : i32
    %add3A_5 = vector.broadcast %add3A_4 : i32 to vector<16xi32>
    %add3A_6 = arith.addi %add3A_5, %iota3A : vector<16xi32>
    %and3A = arith.constant 31 : i32
    %and3A_7 = vector.broadcast %and3A : i32 to vector<16xi32>
    %and3A_8 = arith.andi %add3A_6, %and3A_7 : vector<16xi32>
    %mul3A_9 = arith.constant 16 : i32
    %mul3A_10 = vector.broadcast %mul3A_9 : i32 to vector<16xi32>
    %mul3A_11 = arith.muli %and3A_8, %mul3A_10 : vector<16xi32>
    %swap3A = arith.constant 0 : index
    %swap3A_12 = tpu.vector_load %arg7[%swap3A] {strides = array<i32>} : memref<32xi32, #tpu.memory_space<vmem>>, vector<16xi32>,
    tpu.vector_store %arg7[%swap3A], %mul3A_11 {strides = array<i32>} : memref<32xi32, #tpu.memory_space<vmem>>, vector<16xi32>,
    %add3A_13 = arith.constant 16 : i32
    %add3A_14 = arith.addi %add3A, %add3A_13 : i32
    %add3A_15 = vector.broadcast %add3A_14 : i32 to vector<16xi32>
    %add3A_16 = arith.addi %add3A_15, %iota3A : vector<16xi32>
    %and3A_17 = arith.constant 31 : i32
    %and3A_18 = vector.broadcast %and3A_17 : i32 to vector<16xi32>
    %and3A_19 = arith.andi %add3A_16, %and3A_18 : vector<16xi32>
    %mul3A_20 = arith.constant 16 : i32
    %mul3A_21 = vector.broadcast %mul3A_20 : i32 to vector<16xi32>
    %mul3A_22 = arith.muli %and3A_19, %mul3A_21 : vector<16xi32>
    %swap3A_23 = arith.constant 16 : index
    %swap3A_24 = tpu.vector_load %arg7[%swap3A_23] {strides = array<i32>} : memref<32xi32, #tpu.memory_space<vmem>>, vector<16xi32>,
    tpu.vector_store %arg7[%swap3A_23], %mul3A_22 {strides = array<i32>} : memref<32xi32, #tpu.memory_space<vmem>>, vector<16xi32>,
    %dma_start3A = arith.constant 0 : i32
    %dma_start3A_25 = arith.constant 0 : i32
    %dma_start3A_26 = tpu.memref_slice %arg2[%dma_start3A, %dma_start3A_25] : memref<512x1024xf32, #tpu.memory_space<hbm>> -> memref<512x1024xf32, #tpu.memory_space<hbm>>
    tpu.enqueue_indirect_dma source(%dma_start3A_26 : memref<512x1024xf32, #tpu.memory_space<hbm>>) target(%arg8 : memref<32x1024xf32, #tpu.memory_space<vmem>>) offsets(%arg7 : memref<32xi32, #tpu.memory_space<vmem>>) semaphore(%arg19 : memref<!tpu.dma_semaphore, #tpu.memory_space<semaphore_mem>>)
    "tpu.region"() ({
      %run_scoped3A = tpu.sem_alloc : memref<!tpu.dma_semaphore, #tpu.memory_space<semaphore_mem>>
      %dma_start3A_154 = arith.constant 0 : i32
      %dma_start3A_155 = tpu.memref_slice %arg4[%add3A, %dma_start3A_154] : memref<32x256xi32, #tpu.memory_space<hbm>> -> memref<1x256xi32, #tpu.memory_space<hbm>>
      %dma_start3A_156 = tpu.memref_squeeze %dma_start3A_155 : memref<1x256xi32, #tpu.memory_space<hbm>> -> memref<256xi32, #tpu.memory_space<hbm>>
      %dma_start3A_157 = arith.constant 0 : i32
      %dma_start3A_158 = tpu.memref_slice %arg4[%add3A, %dma_start3A_157] : memref<32x256xi32, #tpu.memory_space<hbm>> -> memref<1x256xi32, #tpu.memory_space<hbm>>
      %dma_start3A_159 = tpu.memref_squeeze %dma_start3A_158 : memref<1x256xi32, #tpu.memory_space<hbm>> -> memref<256xi32, #tpu.memory_space<hbm>>
      tpu.enqueue_dma source(%dma_start3A_159 : memref<256xi32, #tpu.memory_space<hbm>>) target(%arg6 : memref<256xi32, #tpu.memory_space<vmem>>) target_semaphore(%run_scoped3A : memref<!tpu.dma_semaphore, #tpu.memory_space<semaphore_mem>>)
      %dma_wait3A_160 = arith.constant 0 : i32
      %dma_wait3A_161 = tpu.memref_slice %arg4[%add3A, %dma_wait3A_160] : memref<32x256xi32, #tpu.memory_space<hbm>> -> memref<1x256xi32, #tpu.memory_space<hbm>>
      %dma_wait3A_162 = tpu.memref_squeeze %dma_wait3A_161 : memref<1x256xi32, #tpu.memory_space<hbm>> -> memref<256xi32, #tpu.memory_space<hbm>>
      %dma_wait3A_163 = arith.constant 0 : i32
      %dma_wait3A_164 = tpu.memref_slice %arg4[%add3A, %dma_wait3A_163] : memref<32x256xi32, #tpu.memory_space<hbm>> -> memref<1x256xi32, #tpu.memory_space<hbm>>
      %dma_wait3A_165 = tpu.memref_squeeze %dma_wait3A_164 : memref<1x256xi32, #tpu.memory_space<hbm>> -> memref<256xi32, #tpu.memory_space<hbm>>
      tpu.wait_dma2 semaphore(%run_scoped3A : memref<!tpu.dma_semaphore, #tpu.memory_space<semaphore_mem>>) src(%dma_wait3A_165 : memref<256xi32, #tpu.memory_space<hbm>>) dst(%arg6 : memref<256xi32, #tpu.memory_space<vmem>>)
      tpu.yield
    }) : () -> ()
    %dma_wait3A = arith.constant 0 : i32
    %dma_wait3A_27 = arith.constant 0 : i32
    %dma_wait3A_28 = tpu.memref_slice %arg2[%dma_wait3A, %dma_wait3A_27] : memref<512x1024xf32, #tpu.memory_space<hbm>> -> memref<512x1024xf32, #tpu.memory_space<hbm>>
    tpu.wait_indirect_dma semaphore(%arg19 : memref<!tpu.dma_semaphore, #tpu.memory_space<semaphore_mem>>) src(%dma_wait3A_28 : memref<512x1024xf32, #tpu.memory_space<hbm>>) dst(%arg8 : memref<32x1024xf32, #tpu.memory_space<vmem>>)
    %add3A_29 = arith.constant 0 : i32
    %add3A_30 = arith.addi %mul3A_2, %add3A_29 : i32
    %dma_start3A_31 = arith.constant 0 : i32
    %dma_start3A_32 = tpu.memref_slice %arg5[%add3A_30, %dma_start3A_31] : memref<8192x1024xf32, #tpu.memory_space<hbm>> -> memref<32x1024xf32, #tpu.memory_space<hbm>>
    %dma_start3A_33 = arith.constant 0 : i32
    %dma_start3A_34 = tpu.memref_slice %arg5[%add3A_30, %dma_start3A_33] : memref<8192x1024xf32, #tpu.memory_space<hbm>> -> memref<32x1024xf32, #tpu.memory_space<hbm>>
    tpu.enqueue_dma source(%arg8 : memref<32x1024xf32, #tpu.memory_space<vmem>>) target(%dma_start3A_34 : memref<32x1024xf32, #tpu.memory_space<hbm>>) target_semaphore(%arg21 : memref<!tpu.dma_semaphore, #tpu.memory_space<semaphore_mem>>)
    %add3A_35 = arith.constant 32 : i32
    %add3A_36 = arith.addi %mul3A_2, %add3A_35 : i32
    %dma_start3A_37 = arith.constant 0 : i32
    %dma_start3A_38 = tpu.memref_slice %arg5[%add3A_36, %dma_start3A_37] : memref<8192x1024xf32, #tpu.memory_space<hbm>> -> memref<32x1024xf32, #tpu.memory_space<hbm>>
    %dma_start3A_39 = arith.constant 0 : i32
    %dma_start3A_40 = tpu.memref_slice %arg5[%add3A_36, %dma_start3A_39] : memref<8192x1024xf32, #tpu.memory_space<hbm>> -> memref<32x1024xf32, #tpu.memory_space<hbm>>
    tpu.enqueue_dma source(%arg8 : memref<32x1024xf32, #tpu.memory_space<vmem>>) target(%dma_start3A_40 : memref<32x1024xf32, #tpu.memory_space<hbm>>) target_semaphore(%arg21 : memref<!tpu.dma_semaphore, #tpu.memory_space<semaphore_mem>>)
    %add3A_41 = arith.constant 64 : i32
    %add3A_42 = arith.addi %mul3A_2, %add3A_41 : i32
    %dma_start3A_43 = arith.constant 0 : i32
    %dma_start3A_44 = tpu.memref_slice %arg5[%add3A_42, %dma_start3A_43] : memref<8192x1024xf32, #tpu.memory_space<hbm>> -> memref<32x1024xf32, #tpu.memory_space<hbm>>
    %dma_start3A_45 = arith.constant 0 : i32
    %dma_start3A_46 = tpu.memref_slice %arg5[%add3A_42, %dma_start3A_45] : memref<8192x1024xf32, #tpu.memory_space<hbm>> -> memref<32x1024xf32, #tpu.memory_space<hbm>>
    tpu.enqueue_dma source(%arg8 : memref<32x1024xf32, #tpu.memory_space<vmem>>) target(%dma_start3A_46 : memref<32x1024xf32, #tpu.memory_space<hbm>>) target_semaphore(%arg21 : memref<!tpu.dma_semaphore, #tpu.memory_space<semaphore_mem>>)
    %add3A_47 = arith.constant 96 : i32
    %add3A_48 = arith.addi %mul3A_2, %add3A_47 : i32
    %dma_start3A_49 = arith.constant 0 : i32
    %dma_start3A_50 = tpu.memref_slice %arg5[%add3A_48, %dma_start3A_49] : memref<8192x1024xf32, #tpu.memory_space<hbm>> -> memref<32x1024xf32, #tpu.memory_space<hbm>>
    %dma_start3A_51 = arith.constant 0 : i32
    %dma_start3A_52 = tpu.memref_slice %arg5[%add3A_48, %dma_start3A_51] : memref<8192x1024xf32, #tpu.memory_space<hbm>> -> memref<32x1024xf32, #tpu.memory_space<hbm>>
    tpu.enqueue_dma source(%arg8 : memref<32x1024xf32, #tpu.memory_space<vmem>>) target(%dma_start3A_52 : memref<32x1024xf32, #tpu.memory_space<hbm>>) target_semaphore(%arg21 : memref<!tpu.dma_semaphore, #tpu.memory_space<semaphore_mem>>)
    %add3A_53 = arith.constant 128 : i32
    %add3A_54 = arith.addi %mul3A_2, %add3A_53 : i32
    %dma_start3A_55 = arith.constant 0 : i32
    %dma_start3A_56 = tpu.memref_slice %arg5[%add3A_54, %dma_start3A_55] : memref<8192x1024xf32, #tpu.memory_space<hbm>> -> memref<32x1024xf32, #tpu.memory_space<hbm>>
    %dma_start3A_57 = arith.constant 0 : i32
    %dma_start3A_58 = tpu.memref_slice %arg5[%add3A_54, %dma_start3A_57] : memref<8192x1024xf32, #tpu.memory_space<hbm>> -> memref<32x1024xf32, #tpu.memory_space<hbm>>
    tpu.enqueue_dma source(%arg8 : memref<32x1024xf32, #tpu.memory_space<vmem>>) target(%dma_start3A_58 : memref<32x1024xf32, #tpu.memory_space<hbm>>) target_semaphore(%arg21 : memref<!tpu.dma_semaphore, #tpu.memory_space<semaphore_mem>>)
    %add3A_59 = arith.constant 160 : i32
    %add3A_60 = arith.addi %mul3A_2, %add3A_59 : i32
    %dma_start3A_61 = arith.constant 0 : i32
    %dma_start3A_62 = tpu.memref_slice %arg5[%add3A_60, %dma_start3A_61] : memref<8192x1024xf32, #tpu.memory_space<hbm>> -> memref<32x1024xf32, #tpu.memory_space<hbm>>
    %dma_start3A_63 = arith.constant 0 : i32
    %dma_start3A_64 = tpu.memref_slice %arg5[%add3A_60, %dma_start3A_63] : memref<8192x1024xf32, #tpu.memory_space<hbm>> -> memref<32x1024xf32, #tpu.memory_space<hbm>>
    tpu.enqueue_dma source(%arg8 : memref<32x1024xf32, #tpu.memory_space<vmem>>) target(%dma_start3A_64 : memref<32x1024xf32, #tpu.memory_space<hbm>>) target_semaphore(%arg21 : memref<!tpu.dma_semaphore, #tpu.memory_space<semaphore_mem>>)
    %add3A_65 = arith.constant 192 : i32
    %add3A_66 = arith.addi %mul3A_2, %add3A_65 : i32
    %dma_start3A_67 = arith.constant 0 : i32
    %dma_start3A_68 = tpu.memref_slice %arg5[%add3A_66, %dma_start3A_67] : memref<8192x1024xf32, #tpu.memory_space<hbm>> -> memref<32x1024xf32, #tpu.memory_space<hbm>>
    %dma_start3A_69 = arith.constant 0 : i32
    %dma_start3A_70 = tpu.memref_slice %arg5[%add3A_66, %dma_start3A_69] : memref<8192x1024xf32, #tpu.memory_space<hbm>> -> memref<32x1024xf32, #tpu.memory_space<hbm>>
    tpu.enqueue_dma source(%arg8 : memref<32x1024xf32, #tpu.memory_space<vmem>>) target(%dma_start3A_70 : memref<32x1024xf32, #tpu.memory_space<hbm>>) target_semaphore(%arg21 : memref<!tpu.dma_semaphore, #tpu.memory_space<semaphore_mem>>)
    %add3A_71 = arith.constant 224 : i32
    %add3A_72 = arith.addi %mul3A_2, %add3A_71 : i32
    %dma_start3A_73 = arith.constant 0 : i32
    %dma_start3A_74 = tpu.memref_slice %arg5[%add3A_72, %dma_start3A_73] : memref<8192x1024xf32, #tpu.memory_space<hbm>> -> memref<32x1024xf32, #tpu.memory_space<hbm>>
    %dma_start3A_75 = arith.constant 0 : i32
    %dma_start3A_76 = tpu.memref_slice %arg5[%add3A_72, %dma_start3A_75] : memref<8192x1024xf32, #tpu.memory_space<hbm>> -> memref<32x1024xf32, #tpu.memory_space<hbm>>
    tpu.enqueue_dma source(%arg8 : memref<32x1024xf32, #tpu.memory_space<vmem>>) target(%dma_start3A_76 : memref<32x1024xf32, #tpu.memory_space<hbm>>) target_semaphore(%arg21 : memref<!tpu.dma_semaphore, #tpu.memory_space<semaphore_mem>>)
    %scan3A = arith.constant 0 : i32
    %scan3A_77 = arith.constant 0 : i32
    %scan3A_78 = arith.constant 0 : i32
    %scan3A_79 = arith.constant 16 : i32
    %scan3A_80 = arith.addi %scan3A_78, %scan3A_79 : i32
    %scan3A_81 = arith.constant 1 : i32
    %scan3A_82:2 = scf.for %scan3A_154 = %scan3A_78 to %scan3A_80 step %scan3A_81 iter_args(%scan3A_155 = %scan3A, %scan3A_156 = %scan3A_77) -> (i32, i32)  : i32 {
      %mul3A_157 = arith.constant 16 : i32
      %mul3A_158 = arith.muli %scan3A_154, %mul3A_157 : i32
      %get3A = arith.index_cast %mul3A_158 : i32 to index
      %get3A_159 = tpu.vector_load %arg6[%get3A] {strides = array<i32>} : memref<256xi32, #tpu.memory_space<vmem>>, vector<16xi32>,
      %mul3A_160 = arith.constant 16 : i32
      %mul3A_161 = arith.muli %scan3A_154, %mul3A_160 : i32
      %add3A_162 = arith.addi %mul3A_2, %mul3A_161 : i32
      %add3A_163 = vector.broadcast %add3A_162 : i32 to vector<16xi32>
      %add3A_164 = arith.addi %add3A_163, %iota3A : vector<16xi32>
      %gt3A_165 = arith.constant 0 : i32
      %gt3A_166 = vector.broadcast %gt3A_165 : i32 to vector<16xi32>
      %gt3A_167 = arith.cmpi sgt, %get3A_159, %gt3A_166 : vector<16xi32>
      %lt3A = arith.constant 512 : i32
      %lt3A_168 = vector.broadcast %lt3A : i32 to vector<16xi32>
      %lt3A_169 = arith.cmpi slt, %get3A_159, %lt3A_168 : vector<16xi32>
      %and3A_170 = arith.andi %gt3A_167, %lt3A_169 : vector<16xi1>
      %convert_element_type3A_171 = arith.extui %and3A_170 : vector<16xi1> to vector<16xi32>
      %broadcast_in_dim3A_172 = arith.constant true
      %broadcast_in_dim3A_173 = vector.broadcast %broadcast_in_dim3A_172 : i1 to vector<16xi1>
      %masked_cumsum3A = tpu.scan <sum>, %convert_element_type3A_171 masked %broadcast_in_dim3A_173 : vector<16xi32>, vector<16xi1> -> vector<16xi32>
      %add3A_174 = vector.broadcast %scan3A_155 : i32 to vector<16xi32>
      %add3A_175 = arith.addi %add3A_174, %masked_cumsum3A : vector<16xi32>
      %sub3A = arith.constant 1 : i32
      %sub3A_176 = vector.broadcast %sub3A : i32 to vector<16xi32>
      %sub3A_177 = arith.subi %add3A_175, %sub3A_176 : vector<16xi32>
      tpu.vector_store_idx %arg9[%sub3A_177], %add3A_164 masked %and3A_170 : memref<272xi32, #tpu.memory_space<vmem>>[vector<16xi32>], vector<16xi32>, vector<16xi1>
      tpu.vector_store_idx %arg10[%sub3A_177], %get3A_159 masked %and3A_170 : memref<272xi32, #tpu.memory_space<vmem>>[vector<16xi32>], vector<16xi32>, vector<16xi1>
      %ge3A = arith.constant 512 : i32
      %ge3A_178 = vector.broadcast %ge3A : i32 to vector<16xi32>
      %ge3A_179 = arith.cmpi sge, %get3A_159, %ge3A_178 : vector<16xi32>
      %convert_element_type3A_180 = arith.extui %ge3A_179 : vector<16xi1> to vector<16xi32>
      %broadcast_in_dim3A_181 = arith.constant true
      %broadcast_in_dim3A_182 = vector.broadcast %broadcast_in_dim3A_181 : i1 to vector<16xi1>
      %masked_cumsum3A_183 = tpu.scan <sum>, %convert_element_type3A_180 masked %broadcast_in_dim3A_182 : vector<16xi32>, vector<16xi1> -> vector<16xi32>
      %add3A_184 = vector.broadcast %scan3A_156 : i32 to vector<16xi32>
      %add3A_185 = arith.addi %add3A_184, %masked_cumsum3A_183 : vector<16xi32>
      %sub3A_186 = arith.constant 1 : i32
      %sub3A_187 = vector.broadcast %sub3A_186 : i32 to vector<16xi32>
      %sub3A_188 = arith.subi %add3A_185, %sub3A_187 : vector<16xi32>
      tpu.vector_store_idx %arg11[%sub3A_188], %add3A_164 masked %ge3A_179 : memref<272xi32, #tpu.memory_space<vmem>>[vector<16xi32>], vector<16xi32>, vector<16xi1>
      %sub3A_189 = arith.constant 512 : i32
      %sub3A_190 = vector.broadcast %sub3A_189 : i32 to vector<16xi32>
      %sub3A_191 = arith.subi %get3A_159, %sub3A_190 : vector<16xi32>
      tpu.vector_store_idx %arg12[%sub3A_188], %sub3A_191 masked %ge3A_179 : memref<272xi32, #tpu.memory_space<vmem>>[vector<16xi32>], vector<16xi32>, vector<16xi1>
      %reduce_max3A = arith.constant true
      %reduce_max3A_192 = vector.broadcast %reduce_max3A : i1 to vector<16xi1>
      %reduce_max3A_193 = arith.constant -2147483648 : i32
      %reduce_max3A_194 = vector.broadcast %reduce_max3A_193 : i32 to vector<16xi32>
      %reduce_max3A_195 = arith.xori %masked_cumsum3A, %reduce_max3A_194 : vector<16xi32>
      %reduce_max3A_196 = tpu.scan <max>, %reduce_max3A_195 masked %reduce_max3A_192 : vector<16xi32>, vector<16xi1> -> vector<16xi32>
      %reduce_max3A_197 = arith.xori %reduce_max3A_196, %reduce_max3A_194 : vector<16xi32>
      %reduce_max3A_198 = vector.extract %reduce_max3A_197[15] : i32 from vector<16xi32>
      %add3A_199 = arith.addi %scan3A_155, %reduce_max3A_198 : i32
      %reduce_max3A_200 = arith.constant true
      %reduce_max3A_201 = vector.broadcast %reduce_max3A_200 : i1 to vector<16xi1>
      %reduce_max3A_202 = arith.constant -2147483648 : i32
      %reduce_max3A_203 = vector.broadcast %reduce_max3A_202 : i32 to vector<16xi32>
      %reduce_max3A_204 = arith.xori %masked_cumsum3A_183, %reduce_max3A_203 : vector<16xi32>
      %reduce_max3A_205 = tpu.scan <max>, %reduce_max3A_204 masked %reduce_max3A_201 : vector<16xi32>, vector<16xi1> -> vector<16xi32>
      %reduce_max3A_206 = arith.xori %reduce_max3A_205, %reduce_max3A_203 : vector<16xi32>
      %reduce_max3A_207 = vector.extract %reduce_max3A_206[15] : i32 from vector<16xi32>
      %add3A_208 = arith.addi %scan3A_156, %reduce_max3A_207 : i32
      scf.yield %add3A_199, %add3A_208 : i32, i32
    }
    %scan3A_83 = arith.constant 16 : i32
    %broadcast_in_dim3A = arith.constant 0 : i32
    %broadcast_in_dim3A_84 = vector.broadcast %broadcast_in_dim3A : i32 to vector<16xi32>
    %broadcast_in_dim3A_85 = arith.constant true
    %broadcast_in_dim3A_86 = vector.broadcast %broadcast_in_dim3A_85 : i1 to vector<16xi1>
    %gt3A = arith.constant 0 : i32
    %gt3A_87 = arith.cmpi sgt, %scan3A_82#0, %gt3A : i32
    %convert_element_type3A = arith.extui %gt3A_87 : i1 to i32
    %cond3A = arith.constant 0 : i32
    %cond3A_88 = arith.cmpi ne, %convert_element_type3A, %cond3A : i32
    scf.if %cond3A_88 {
      %add3A_154 = vector.broadcast %scan3A_82#0 : i32 to vector<16xi32>
      %add3A_155 = arith.addi %add3A_154, %iota3A : vector<16xi32>
      %gather3A = tpu.vector_load_idx %arg9[%broadcast_in_dim3A_84] masked %broadcast_in_dim3A_86 : memref<272xi32, #tpu.memory_space<vmem>>[vector<16xi32>], vector<16xi32>, vector<16xi1>
      tpu.vector_store_idx %arg9[%add3A_155], %gather3A masked %broadcast_in_dim3A_86 : memref<272xi32, #tpu.memory_space<vmem>>[vector<16xi32>], vector<16xi32>, vector<16xi1>
      %add3A_156 = vector.broadcast %scan3A_82#0 : i32 to vector<16xi32>
      %add3A_157 = arith.addi %add3A_156, %iota3A : vector<16xi32>
      %gather3A_158 = tpu.vector_load_idx %arg10[%broadcast_in_dim3A_84] masked %broadcast_in_dim3A_86 : memref<272xi32, #tpu.memory_space<vmem>>[vector<16xi32>], vector<16xi32>, vector<16xi1>
      tpu.vector_store_idx %arg10[%add3A_157], %gather3A_158 masked %broadcast_in_dim3A_86 : memref<272xi32, #tpu.memory_space<vmem>>[vector<16xi32>], vector<16xi32>, vector<16xi1>
    } else {
    }
    %gt3A_89 = arith.constant 0 : i32
    %gt3A_90 = arith.cmpi sgt, %scan3A_82#1, %gt3A_89 : i32
    %convert_element_type3A_91 = arith.extui %gt3A_90 : i1 to i32
    %cond3A_92 = arith.constant 0 : i32
    %cond3A_93 = arith.cmpi ne, %convert_element_type3A_91, %cond3A_92 : i32
    scf.if %cond3A_93 {
      %add3A_154 = vector.broadcast %scan3A_82#1 : i32 to vector<16xi32>
      %add3A_155 = arith.addi %add3A_154, %iota3A : vector<16xi32>
      %gather3A = tpu.vector_load_idx %arg11[%broadcast_in_dim3A_84] masked %broadcast_in_dim3A_86 : memref<272xi32, #tpu.memory_space<vmem>>[vector<16xi32>], vector<16xi32>, vector<16xi1>
      tpu.vector_store_idx %arg11[%add3A_155], %gather3A masked %broadcast_in_dim3A_86 : memref<272xi32, #tpu.memory_space<vmem>>[vector<16xi32>], vector<16xi32>, vector<16xi1>
      %add3A_156 = vector.broadcast %scan3A_82#1 : i32 to vector<16xi32>
      %add3A_157 = arith.addi %add3A_156, %iota3A : vector<16xi32>
      %gather3A_158 = tpu.vector_load_idx %arg12[%broadcast_in_dim3A_84] masked %broadcast_in_dim3A_86 : memref<272xi32, #tpu.memory_space<vmem>>[vector<16xi32>], vector<16xi32>, vector<16xi1>
      tpu.vector_store_idx %arg12[%add3A_157], %gather3A_158 masked %broadcast_in_dim3A_86 : memref<272xi32, #tpu.memory_space<vmem>>[vector<16xi32>], vector<16xi32>, vector<16xi1>
    } else {
    }
    %gt3A_94 = arith.constant 0 : i32
    %gt3A_95 = arith.cmpi sgt, %scan3A_82#0, %gt3A_94 : i32
    %convert_element_type3A_96 = arith.extui %gt3A_95 : i1 to i32
    %cond3A_97 = arith.constant 0 : i32
    %cond3A_98 = arith.cmpi ne, %convert_element_type3A_96, %cond3A_97 : i32
    scf.if %cond3A_98 {
      %get3A = arith.constant 0 : index
      %get3A_154 = tpu.vector_load %arg10[%get3A] {strides = array<i32>} : memref<272xi32, #tpu.memory_space<vmem>>, vector<16xi32>,
      %swap3A_155 = arith.constant 0 : index
      %swap3A_156 = tpu.vector_load %arg13[%swap3A_155] {strides = array<i32>} : memref<16xi32, #tpu.memory_space<vmem>>, vector<16xi32>,
      tpu.vector_store %arg13[%swap3A_155], %get3A_154 {strides = array<i32>} : memref<16xi32, #tpu.memory_space<vmem>>, vector<16xi32>,
      %get3A_157 = arith.constant 0 : index
      %get3A_158 = tpu.vector_load %arg9[%get3A_157] {strides = array<i32>} : memref<272xi32, #tpu.memory_space<vmem>>, vector<16xi32>,
      %swap3A_159 = arith.constant 0 : index
      %swap3A_160 = tpu.vector_load %arg14[%swap3A_159] {strides = array<i32>} : memref<16xi32, #tpu.memory_space<vmem>>, vector<16xi32>,
      tpu.vector_store %arg14[%swap3A_159], %get3A_158 {strides = array<i32>} : memref<16xi32, #tpu.memory_space<vmem>>, vector<16xi32>,
      %dma_start3A_161 = arith.constant 0 : i32
      %dma_start3A_162 = arith.constant 0 : i32
      %dma_start3A_163 = tpu.memref_slice %arg2[%dma_start3A_161, %dma_start3A_162] : memref<512x1024xf32, #tpu.memory_space<hbm>> -> memref<512x1024xf32, #tpu.memory_space<hbm>>
      tpu.enqueue_indirect_dma source(%dma_start3A_163 : memref<512x1024xf32, #tpu.memory_space<hbm>>) target(%arg17 : memref<16x1024xf32, #tpu.memory_space<vmem>>) offsets(%arg13 : memref<16xi32, #tpu.memory_space<vmem>>) semaphore(%arg19 : memref<!tpu.dma_semaphore, #tpu.memory_space<semaphore_mem>>)
    } else {
    }
    %gt3A_99 = arith.constant 16 : i32
    %gt3A_100 = arith.cmpi sgt, %scan3A_82#0, %gt3A_99 : i32
    %convert_element_type3A_101 = arith.extui %gt3A_100 : i1 to i32
    %cond3A_102 = arith.constant 0 : i32
    %cond3A_103 = arith.cmpi ne, %convert_element_type3A_101, %cond3A_102 : i32
    scf.if %cond3A_103 {
      %get3A = arith.constant 16 : index
      %get3A_154 = tpu.vector_load %arg10[%get3A] {strides = array<i32>} : memref<272xi32, #tpu.memory_space<vmem>>, vector<16xi32>,
      %swap3A_155 = arith.constant 0 : index
      %swap3A_156 = tpu.vector_load %arg15[%swap3A_155] {strides = array<i32>} : memref<16xi32, #tpu.memory_space<vmem>>, vector<16xi32>,
      tpu.vector_store %arg15[%swap3A_155], %get3A_154 {strides = array<i32>} : memref<16xi32, #tpu.memory_space<vmem>>, vector<16xi32>,
      %get3A_157 = arith.constant 16 : index
      %get3A_158 = tpu.vector_load %arg9[%get3A_157] {strides = array<i32>} : memref<272xi32, #tpu.memory_space<vmem>>, vector<16xi32>,
      %swap3A_159 = arith.constant 0 : index
      %swap3A_160 = tpu.vector_load %arg16[%swap3A_159] {strides = array<i32>} : memref<16xi32, #tpu.memory_space<vmem>>, vector<16xi32>,
      tpu.vector_store %arg16[%swap3A_159], %get3A_158 {strides = array<i32>} : memref<16xi32, #tpu.memory_space<vmem>>, vector<16xi32>,
      %dma_start3A_161 = arith.constant 0 : i32
      %dma_start3A_162 = arith.constant 0 : i32
      %dma_start3A_163 = tpu.memref_slice %arg2[%dma_start3A_161, %dma_start3A_162] : memref<512x1024xf32, #tpu.memory_space<hbm>> -> memref<512x1024xf32, #tpu.memory_space<hbm>>
      tpu.enqueue_indirect_dma source(%dma_start3A_163 : memref<512x1024xf32, #tpu.memory_space<hbm>>) target(%arg18 : memref<16x1024xf32, #tpu.memory_space<vmem>>) offsets(%arg15 : memref<16xi32, #tpu.memory_space<vmem>>) semaphore(%arg20 : memref<!tpu.dma_semaphore, #tpu.memory_space<semaphore_mem>>)
    } else {
    }
    %dma_wait3A_104 = arith.constant 0 : i32
    %dma_wait3A_105 = tpu.memref_slice %arg5[%add3A_30, %dma_wait3A_104] : memref<8192x1024xf32, #tpu.memory_space<hbm>> -> memref<32x1024xf32, #tpu.memory_space<hbm>>
    %dma_wait3A_106 = arith.constant 0 : i32
    %dma_wait3A_107 = tpu.memref_slice %arg5[%add3A_30, %dma_wait3A_106] : memref<8192x1024xf32, #tpu.memory_space<hbm>> -> memref<32x1024xf32, #tpu.memory_space<hbm>>
    tpu.wait_dma2 semaphore(%arg21 : memref<!tpu.dma_semaphore, #tpu.memory_space<semaphore_mem>>) src(%arg8 : memref<32x1024xf32, #tpu.memory_space<vmem>>) dst(%dma_wait3A_107 : memref<32x1024xf32, #tpu.memory_space<hbm>>)
    %dma_wait3A_108 = arith.constant 0 : i32
    %dma_wait3A_109 = tpu.memref_slice %arg5[%add3A_36, %dma_wait3A_108] : memref<8192x1024xf32, #tpu.memory_space<hbm>> -> memref<32x1024xf32, #tpu.memory_space<hbm>>
    %dma_wait3A_110 = arith.constant 0 : i32
    %dma_wait3A_111 = tpu.memref_slice %arg5[%add3A_36, %dma_wait3A_110] : memref<8192x1024xf32, #tpu.memory_space<hbm>> -> memref<32x1024xf32, #tpu.memory_space<hbm>>
    tpu.wait_dma2 semaphore(%arg21 : memref<!tpu.dma_semaphore, #tpu.memory_space<semaphore_mem>>) src(%arg8 : memref<32x1024xf32, #tpu.memory_space<vmem>>) dst(%dma_wait3A_111 : memref<32x1024xf32, #tpu.memory_space<hbm>>)
    %dma_wait3A_112 = arith.constant 0 : i32
    %dma_wait3A_113 = tpu.memref_slice %arg5[%add3A_42, %dma_wait3A_112] : memref<8192x1024xf32, #tpu.memory_space<hbm>> -> memref<32x1024xf32, #tpu.memory_space<hbm>>
    %dma_wait3A_114 = arith.constant 0 : i32
    %dma_wait3A_115 = tpu.memref_slice %arg5[%add3A_42, %dma_wait3A_114] : memref<8192x1024xf32, #tpu.memory_space<hbm>> -> memref<32x1024xf32, #tpu.memory_space<hbm>>
    tpu.wait_dma2 semaphore(%arg21 : memref<!tpu.dma_semaphore, #tpu.memory_space<semaphore_mem>>) src(%arg8 : memref<32x1024xf32, #tpu.memory_space<vmem>>) dst(%dma_wait3A_115 : memref<32x1024xf32, #tpu.memory_space<hbm>>)
    %dma_wait3A_116 = arith.constant 0 : i32
    %dma_wait3A_117 = tpu.memref_slice %arg5[%add3A_48, %dma_wait3A_116] : memref<8192x1024xf32, #tpu.memory_space<hbm>> -> memref<32x1024xf32, #tpu.memory_space<hbm>>
    %dma_wait3A_118 = arith.constant 0 : i32
    %dma_wait3A_119 = tpu.memref_slice %arg5[%add3A_48, %dma_wait3A_118] : memref<8192x1024xf32, #tpu.memory_space<hbm>> -> memref<32x1024xf32, #tpu.memory_space<hbm>>
    tpu.wait_dma2 semaphore(%arg21 : memref<!tpu.dma_semaphore, #tpu.memory_space<semaphore_mem>>) src(%arg8 : memref<32x1024xf32, #tpu.memory_space<vmem>>) dst(%dma_wait3A_119 : memref<32x1024xf32, #tpu.memory_space<hbm>>)
    %dma_wait3A_120 = arith.constant 0 : i32
    %dma_wait3A_121 = tpu.memref_slice %arg5[%add3A_54, %dma_wait3A_120] : memref<8192x1024xf32, #tpu.memory_space<hbm>> -> memref<32x1024xf32, #tpu.memory_space<hbm>>
    %dma_wait3A_122 = arith.constant 0 : i32
    %dma_wait3A_123 = tpu.memref_slice %arg5[%add3A_54, %dma_wait3A_122] : memref<8192x1024xf32, #tpu.memory_space<hbm>> -> memref<32x1024xf32, #tpu.memory_space<hbm>>
    tpu.wait_dma2 semaphore(%arg21 : memref<!tpu.dma_semaphore, #tpu.memory_space<semaphore_mem>>) src(%arg8 : memref<32x1024xf32, #tpu.memory_space<vmem>>) dst(%dma_wait3A_123 : memref<32x1024xf32, #tpu.memory_space<hbm>>)
    %dma_wait3A_124 = arith.constant 0 : i32
    %dma_wait3A_125 = tpu.memref_slice %arg5[%add3A_60, %dma_wait3A_124] : memref<8192x1024xf32, #tpu.memory_space<hbm>> -> memref<32x1024xf32, #tpu.memory_space<hbm>>
    %dma_wait3A_126 = arith.constant 0 : i32
    %dma_wait3A_127 = tpu.memref_slice %arg5[%add3A_60, %dma_wait3A_126] : memref<8192x1024xf32, #tpu.memory_space<hbm>> -> memref<32x1024xf32, #tpu.memory_space<hbm>>
    tpu.wait_dma2 semaphore(%arg21 : memref<!tpu.dma_semaphore, #tpu.memory_space<semaphore_mem>>) src(%arg8 : memref<32x1024xf32, #tpu.memory_space<vmem>>) dst(%dma_wait3A_127 : memref<32x1024xf32, #tpu.memory_space<hbm>>)
    %dma_wait3A_128 = arith.constant 0 : i32
    %dma_wait3A_129 = tpu.memref_slice %arg5[%add3A_66, %dma_wait3A_128] : memref<8192x1024xf32, #tpu.memory_space<hbm>> -> memref<32x1024xf32, #tpu.memory_space<hbm>>
    %dma_wait3A_130 = arith.constant 0 : i32
    %dma_wait3A_131 = tpu.memref_slice %arg5[%add3A_66, %dma_wait3A_130] : memref<8192x1024xf32, #tpu.memory_space<hbm>> -> memref<32x1024xf32, #tpu.memory_space<hbm>>
    tpu.wait_dma2 semaphore(%arg21 : memref<!tpu.dma_semaphore, #tpu.memory_space<semaphore_mem>>) src(%arg8 : memref<32x1024xf32, #tpu.memory_space<vmem>>) dst(%dma_wait3A_131 : memref<32x1024xf32, #tpu.memory_space<hbm>>)
    %dma_wait3A_132 = arith.constant 0 : i32
    %dma_wait3A_133 = tpu.memref_slice %arg5[%add3A_72, %dma_wait3A_132] : memref<8192x1024xf32, #tpu.memory_space<hbm>> -> memref<32x1024xf32, #tpu.memory_space<hbm>>
    %dma_wait3A_134 = arith.constant 0 : i32
    %dma_wait3A_135 = tpu.memref_slice %arg5[%add3A_72, %dma_wait3A_134] : memref<8192x1024xf32, #tpu.memory_space<hbm>> -> memref<32x1024xf32, #tpu.memory_space<hbm>>
    tpu.wait_dma2 semaphore(%arg21 : memref<!tpu.dma_semaphore, #tpu.memory_space<semaphore_mem>>) src(%arg8 : memref<32x1024xf32, #tpu.memory_space<vmem>>) dst(%dma_wait3A_135 : memref<32x1024xf32, #tpu.memory_space<hbm>>)
    %scan3A_136 = arith.constant 0 : i32
    %scan3A_137 = arith.constant 0 : i32
    %scan3A_138 = arith.constant 8 : i32
    %scan3A_139 = arith.addi %scan3A_137, %scan3A_138 : i32
    %scan3A_140 = arith.constant 1 : i32
    scf.for %scan3A_154 = %scan3A_137 to %scan3A_139 step %scan3A_140  : i32 {
      %mul3A_155 = arith.constant 2 : i32
      %mul3A_156 = arith.muli %mul3A_155, %scan3A_154 : i32
      %add3A_157 = arith.constant 0 : i32
      %add3A_158 = arith.addi %mul3A_156, %add3A_157 : i32
      %mul3A_159 = arith.constant 16 : i32
      %mul3A_160 = arith.muli %add3A_158, %mul3A_159 : i32
      %lt3A = arith.cmpi slt, %mul3A_160, %scan3A_82#0 : i32
      %convert_element_type3A_161 = arith.extui %lt3A : i1 to i32
      %cond3A_162 = arith.constant 0 : i32
      %cond3A_163 = arith.cmpi ne, %convert_element_type3A_161, %cond3A_162 : i32
      scf.if %cond3A_163 {
        %dma_wait3A_190 = arith.constant 0 : i32
        %dma_wait3A_191 = arith.constant 0 : i32
        %dma_wait3A_192 = tpu.memref_slice %arg2[%dma_wait3A_190, %dma_wait3A_191] : memref<512x1024xf32, #tpu.memory_space<hbm>> -> memref<512x1024xf32, #tpu.memory_space<hbm>>
        tpu.wait_indirect_dma semaphore(%arg19 : memref<!tpu.dma_semaphore, #tpu.memory_space<semaphore_mem>>) src(%dma_wait3A_192 : memref<512x1024xf32, #tpu.memory_space<hbm>>) dst(%arg17 : memref<16x1024xf32, #tpu.memory_space<vmem>>)
        %dma_start3A_193 = arith.constant 0 : i32
        %dma_start3A_194 = arith.constant 0 : i32
        %dma_start3A_195 = tpu.memref_slice %arg5[%dma_start3A_193, %dma_start3A_194] : memref<8192x1024xf32, #tpu.memory_space<hbm>> -> memref<8192x1024xf32, #tpu.memory_space<hbm>>
        tpu.enqueue_indirect_dma source(%arg17 : memref<16x1024xf32, #tpu.memory_space<vmem>>) target(%dma_start3A_195 : memref<8192x1024xf32, #tpu.memory_space<hbm>>) offsets(%arg14 : memref<16xi32, #tpu.memory_space<vmem>>) semaphore(%arg21 : memref<!tpu.dma_semaphore, #tpu.memory_space<semaphore_mem>>)
        %dma_wait3A_196 = arith.constant 0 : i32
        %dma_wait3A_197 = arith.constant 0 : i32
        %dma_wait3A_198 = tpu.memref_slice %arg5[%dma_wait3A_196, %dma_wait3A_197] : memref<8192x1024xf32, #tpu.memory_space<hbm>> -> memref<8192x1024xf32, #tpu.memory_space<hbm>>
        tpu.wait_indirect_dma semaphore(%arg21 : memref<!tpu.dma_semaphore, #tpu.memory_space<semaphore_mem>>) src(%arg17 : memref<16x1024xf32, #tpu.memory_space<vmem>>) dst(%dma_wait3A_198 : memref<8192x1024xf32, #tpu.memory_space<hbm>>)
      } else {
      }
      %add3A_164 = arith.constant 2 : i32
      %add3A_165 = arith.addi %add3A_158, %add3A_164 : i32
      %mul3A_166 = arith.constant 16 : i32
      %mul3A_167 = arith.muli %add3A_165, %mul3A_166 : i32
      %lt3A_168 = arith.cmpi slt, %mul3A_167, %scan3A_82#0 : i32
      %convert_element_type3A_169 = arith.extui %lt3A_168 : i1 to i32
      %cond3A_170 = arith.constant 0 : i32
      %cond3A_171 = arith.cmpi ne, %convert_element_type3A_169, %cond3A_170 : i32
      scf.if %cond3A_171 {
        %add3A_190 = arith.constant 2 : i32
        %add3A_191 = arith.addi %add3A_158, %add3A_190 : i32
        %mul3A_192 = arith.constant 16 : i32
        %mul3A_193 = arith.muli %add3A_191, %mul3A_192 : i32
        %get3A = arith.index_cast %mul3A_193 : i32 to index
        %get3A_194 = tpu.vector_load %arg10[%get3A] {strides = array<i32>} : memref<272xi32, #tpu.memory_space<vmem>>, vector<16xi32>,
        %swap3A_195 = arith.constant 0 : index
        %swap3A_196 = tpu.vector_load %arg13[%swap3A_195] {strides = array<i32>} : memref<16xi32, #tpu.memory_space<vmem>>, vector<16xi32>,
        tpu.vector_store %arg13[%swap3A_195], %get3A_194 {strides = array<i32>} : memref<16xi32, #tpu.memory_space<vmem>>, vector<16xi32>,
        %add3A_197 = arith.constant 2 : i32
        %add3A_198 = arith.addi %add3A_158, %add3A_197 : i32
        %mul3A_199 = arith.constant 16 : i32
        %mul3A_200 = arith.muli %add3A_198, %mul3A_199 : i32
        %get3A_201 = arith.index_cast %mul3A_200 : i32 to index
        %get3A_202 = tpu.vector_load %arg9[%get3A_201] {strides = array<i32>} : memref<272xi32, #tpu.memory_space<vmem>>, vector<16xi32>,
        %swap3A_203 = arith.constant 0 : index
        %swap3A_204 = tpu.vector_load %arg14[%swap3A_203] {strides = array<i32>} : memref<16xi32, #tpu.memory_space<vmem>>, vector<16xi32>,
        tpu.vector_store %arg14[%swap3A_203], %get3A_202 {strides = array<i32>} : memref<16xi32, #tpu.memory_space<vmem>>, vector<16xi32>,
        %dma_start3A_205 = arith.constant 0 : i32
        %dma_start3A_206 = arith.constant 0 : i32
        %dma_start3A_207 = tpu.memref_slice %arg2[%dma_start3A_205, %dma_start3A_206] : memref<512x1024xf32, #tpu.memory_space<hbm>> -> memref<512x1024xf32, #tpu.memory_space<hbm>>
        tpu.enqueue_indirect_dma source(%dma_start3A_207 : memref<512x1024xf32, #tpu.memory_space<hbm>>) target(%arg17 : memref<16x1024xf32, #tpu.memory_space<vmem>>) offsets(%arg13 : memref<16xi32, #tpu.memory_space<vmem>>) semaphore(%arg19 : memref<!tpu.dma_semaphore, #tpu.memory_space<semaphore_mem>>)
      } else {
      }
      %mul3A_172 = arith.constant 2 : i32
      %mul3A_173 = arith.muli %mul3A_172, %scan3A_154 : i32
      %add3A_174 = arith.constant 1 : i32
      %add3A_175 = arith.addi %mul3A_173, %add3A_174 : i32
      %mul3A_176 = arith.constant 16 : i32
      %mul3A_177 = arith.muli %add3A_175, %mul3A_176 : i32
      %lt3A_178 = arith.cmpi slt, %mul3A_177, %scan3A_82#0 : i32
      %convert_element_type3A_179 = arith.extui %lt3A_178 : i1 to i32
      %cond3A_180 = arith.constant 0 : i32
      %cond3A_181 = arith.cmpi ne, %convert_element_type3A_179, %cond3A_180 : i32
      scf.if %cond3A_181 {
        %dma_wait3A_190 = arith.constant 0 : i32
        %dma_wait3A_191 = arith.constant 0 : i32
        %dma_wait3A_192 = tpu.memref_slice %arg2[%dma_wait3A_190, %dma_wait3A_191] : memref<512x1024xf32, #tpu.memory_space<hbm>> -> memref<512x1024xf32, #tpu.memory_space<hbm>>
        tpu.wait_indirect_dma semaphore(%arg20 : memref<!tpu.dma_semaphore, #tpu.memory_space<semaphore_mem>>) src(%dma_wait3A_192 : memref<512x1024xf32, #tpu.memory_space<hbm>>) dst(%arg18 : memref<16x1024xf32, #tpu.memory_space<vmem>>)
        %dma_start3A_193 = arith.constant 0 : i32
        %dma_start3A_194 = arith.constant 0 : i32
        %dma_start3A_195 = tpu.memref_slice %arg5[%dma_start3A_193, %dma_start3A_194] : memref<8192x1024xf32, #tpu.memory_space<hbm>> -> memref<8192x1024xf32, #tpu.memory_space<hbm>>
        tpu.enqueue_indirect_dma source(%arg18 : memref<16x1024xf32, #tpu.memory_space<vmem>>) target(%dma_start3A_195 : memref<8192x1024xf32, #tpu.memory_space<hbm>>) offsets(%arg16 : memref<16xi32, #tpu.memory_space<vmem>>) semaphore(%arg21 : memref<!tpu.dma_semaphore, #tpu.memory_space<semaphore_mem>>)
        %dma_wait3A_196 = arith.constant 0 : i32
        %dma_wait3A_197 = arith.constant 0 : i32
        %dma_wait3A_198 = tpu.memref_slice %arg5[%dma_wait3A_196, %dma_wait3A_197] : memref<8192x1024xf32, #tpu.memory_space<hbm>> -> memref<8192x1024xf32, #tpu.memory_space<hbm>>
        tpu.wait_indirect_dma semaphore(%arg21 : memref<!tpu.dma_semaphore, #tpu.memory_space<semaphore_mem>>) src(%arg18 : memref<16x1024xf32, #tpu.memory_space<vmem>>) dst(%dma_wait3A_198 : memref<8192x1024xf32, #tpu.memory_space<hbm>>)
      } else {
      }
      %add3A_182 = arith.constant 2 : i32
      %add3A_183 = arith.addi %add3A_175, %add3A_182 : i32
      %mul3A_184 = arith.constant 16 : i32
      %mul3A_185 = arith.muli %add3A_183, %mul3A_184 : i32
      %lt3A_186 = arith.cmpi slt, %mul3A_185, %scan3A_82#0 : i32
      %convert_element_type3A_187 = arith.extui %lt3A_186 : i1 to i32
      %cond3A_188 = arith.constant 0 : i32
      %cond3A_189 = arith.cmpi ne, %convert_element_type3A_187, %cond3A_188 : i32
      scf.if %cond3A_189 {
        %add3A_190 = arith.constant 2 : i32
        %add3A_191 = arith.addi %add3A_175, %add3A_190 : i32
        %mul3A_192 = arith.constant 16 : i32
        %mul3A_193 = arith.muli %add3A_191, %mul3A_192 : i32
        %get3A = arith.index_cast %mul3A_193 : i32 to index
        %get3A_194 = tpu.vector_load %arg10[%get3A] {strides = array<i32>} : memref<272xi32, #tpu.memory_space<vmem>>, vector<16xi32>,
        %swap3A_195 = arith.constant 0 : index
        %swap3A_196 = tpu.vector_load %arg15[%swap3A_195] {strides = array<i32>} : memref<16xi32, #tpu.memory_space<vmem>>, vector<16xi32>,
        tpu.vector_store %arg15[%swap3A_195], %get3A_194 {strides = array<i32>} : memref<16xi32, #tpu.memory_space<vmem>>, vector<16xi32>,
        %add3A_197 = arith.constant 2 : i32
        %add3A_198 = arith.addi %add3A_175, %add3A_197 : i32
        %mul3A_199 = arith.constant 16 : i32
        %mul3A_200 = arith.muli %add3A_198, %mul3A_199 : i32
        %get3A_201 = arith.index_cast %mul3A_200 : i32 to index
        %get3A_202 = tpu.vector_load %arg9[%get3A_201] {strides = array<i32>} : memref<272xi32, #tpu.memory_space<vmem>>, vector<16xi32>,
        %swap3A_203 = arith.constant 0 : index
        %swap3A_204 = tpu.vector_load %arg16[%swap3A_203] {strides = array<i32>} : memref<16xi32, #tpu.memory_space<vmem>>, vector<16xi32>,
        tpu.vector_store %arg16[%swap3A_203], %get3A_202 {strides = array<i32>} : memref<16xi32, #tpu.memory_space<vmem>>, vector<16xi32>,
        %dma_start3A_205 = arith.constant 0 : i32
        %dma_start3A_206 = arith.constant 0 : i32
        %dma_start3A_207 = tpu.memref_slice %arg2[%dma_start3A_205, %dma_start3A_206] : memref<512x1024xf32, #tpu.memory_space<hbm>> -> memref<512x1024xf32, #tpu.memory_space<hbm>>
        tpu.enqueue_indirect_dma source(%dma_start3A_207 : memref<512x1024xf32, #tpu.memory_space<hbm>>) target(%arg18 : memref<16x1024xf32, #tpu.memory_space<vmem>>) offsets(%arg15 : memref<16xi32, #tpu.memory_space<vmem>>) semaphore(%arg20 : memref<!tpu.dma_semaphore, #tpu.memory_space<semaphore_mem>>)
      } else {
      }
    }
    %scan3A_141 = arith.constant 8 : i32
    %add3A_142 = arith.constant 15 : i32
    %add3A_143 = arith.addi %scan3A_82#1, %add3A_142 : i32
    %div3A = arith.constant 16 : i32
    %div3A_144 = arith.divsi %add3A_143, %div3A : i32
    %while3A = arith.constant 0 : i32
    %while3A_145 = arith.constant 0 : i32
    %while3A_146 = arith.subi %div3A_144, %while3A_145 : i32
    %while3A_147 = arith.addi %while3A_145, %while3A_146 : i32
    %while3A_148 = arith.constant 1 : i32
    %while3A_149 = arith.divsi %while3A_146, %while3A_148 : i32
    %while3A_150 = arith.muli %while3A_149, %while3A_148 : i32
    %while3A_151 = arith.addi %while3A_145, %while3A_150 : i32
    %while3A_152 = arith.constant 1 : i32
    scf.for %while3A_154 = %while3A_145 to %while3A_151 step %while3A_152  : i32 {
      %mul3A_155 = arith.constant 16 : i32
      %mul3A_156 = arith.muli %while3A_154, %mul3A_155 : i32
      %get3A = arith.index_cast %mul3A_156 : i32 to index
      %get3A_157 = tpu.vector_load %arg12[%get3A] {strides = array<i32>} : memref<272xi32, #tpu.memory_space<vmem>>, vector<16xi32>,
      %swap3A_158 = arith.constant 0 : index
      %swap3A_159 = tpu.vector_load %arg13[%swap3A_158] {strides = array<i32>} : memref<16xi32, #tpu.memory_space<vmem>>, vector<16xi32>,
      tpu.vector_store %arg13[%swap3A_158], %get3A_157 {strides = array<i32>} : memref<16xi32, #tpu.memory_space<vmem>>, vector<16xi32>,
      %mul3A_160 = arith.constant 16 : i32
      %mul3A_161 = arith.muli %while3A_154, %mul3A_160 : i32
      %get3A_162 = arith.index_cast %mul3A_161 : i32 to index
      %get3A_163 = tpu.vector_load %arg11[%get3A_162] {strides = array<i32>} : memref<272xi32, #tpu.memory_space<vmem>>, vector<16xi32>,
      %swap3A_164 = arith.constant 0 : index
      %swap3A_165 = tpu.vector_load %arg14[%swap3A_164] {strides = array<i32>} : memref<16xi32, #tpu.memory_space<vmem>>, vector<16xi32>,
      tpu.vector_store %arg14[%swap3A_164], %get3A_163 {strides = array<i32>} : memref<16xi32, #tpu.memory_space<vmem>>, vector<16xi32>,
      %dma_start3A_166 = arith.constant 0 : i32
      %dma_start3A_167 = arith.constant 0 : i32
      %dma_start3A_168 = tpu.memref_slice %arg3[%dma_start3A_166, %dma_start3A_167] : memref<1024x1024xf32, #tpu.memory_space<hbm>> -> memref<1024x1024xf32, #tpu.memory_space<hbm>>
      tpu.enqueue_indirect_dma source(%dma_start3A_168 : memref<1024x1024xf32, #tpu.memory_space<hbm>>) target(%arg17 : memref<16x1024xf32, #tpu.memory_space<vmem>>) offsets(%arg13 : memref<16xi32, #tpu.memory_space<vmem>>) semaphore(%arg19 : memref<!tpu.dma_semaphore, #tpu.memory_space<semaphore_mem>>)
      %dma_wait3A_169 = arith.constant 0 : i32
      %dma_wait3A_170 = arith.constant 0 : i32
      %dma_wait3A_171 = tpu.memref_slice %arg3[%dma_wait3A_169, %dma_wait3A_170] : memref<1024x1024xf32, #tpu.memory_space<hbm>> -> memref<1024x1024xf32, #tpu.memory_space<hbm>>
      tpu.wait_indirect_dma semaphore(%arg19 : memref<!tpu.dma_semaphore, #tpu.memory_space<semaphore_mem>>) src(%dma_wait3A_171 : memref<1024x1024xf32, #tpu.memory_space<hbm>>) dst(%arg17 : memref<16x1024xf32, #tpu.memory_space<vmem>>)
      %dma_start3A_172 = arith.constant 0 : i32
      %dma_start3A_173 = arith.constant 0 : i32
      %dma_start3A_174 = tpu.memref_slice %arg5[%dma_start3A_172, %dma_start3A_173] : memref<8192x1024xf32, #tpu.memory_space<hbm>> -> memref<8192x1024xf32, #tpu.memory_space<hbm>>
      tpu.enqueue_indirect_dma source(%arg17 : memref<16x1024xf32, #tpu.memory_space<vmem>>) target(%dma_start3A_174 : memref<8192x1024xf32, #tpu.memory_space<hbm>>) offsets(%arg14 : memref<16xi32, #tpu.memory_space<vmem>>) semaphore(%arg21 : memref<!tpu.dma_semaphore, #tpu.memory_space<semaphore_mem>>)
      %dma_wait3A_175 = arith.constant 0 : i32
      %dma_wait3A_176 = arith.constant 0 : i32
      %dma_wait3A_177 = tpu.memref_slice %arg5[%dma_wait3A_175, %dma_wait3A_176] : memref<8192x1024xf32, #tpu.memory_space<hbm>> -> memref<8192x1024xf32, #tpu.memory_space<hbm>>
      tpu.wait_indirect_dma semaphore(%arg21 : memref<!tpu.dma_semaphore, #tpu.memory_space<semaphore_mem>>) src(%arg17 : memref<16x1024xf32, #tpu.memory_space<vmem>>) dst(%dma_wait3A_177 : memref<8192x1024xf32, #tpu.memory_space<hbm>>)
    }
    %while3A_153 = arith.constant 1 : i32
    scf.for %while3A_154 = %while3A_151 to %while3A_147 step %while3A_153  : i32 {
      %mul3A_155 = arith.constant 16 : i32
      %mul3A_156 = arith.muli %while3A_154, %mul3A_155 : i32
      %get3A = arith.index_cast %mul3A_156 : i32 to index
      %get3A_157 = tpu.vector_load %arg12[%get3A] {strides = array<i32>} : memref<272xi32, #tpu.memory_space<vmem>>, vector<16xi32>,
      %swap3A_158 = arith.constant 0 : index
      %swap3A_159 = tpu.vector_load %arg13[%swap3A_158] {strides = array<i32>} : memref<16xi32, #tpu.memory_space<vmem>>, vector<16xi32>,
      tpu.vector_store %arg13[%swap3A_158], %get3A_157 {strides = array<i32>} : memref<16xi32, #tpu.memory_space<vmem>>, vector<16xi32>,
      %mul3A_160 = arith.constant 16 : i32
      %mul3A_161 = arith.muli %while3A_154, %mul3A_160 : i32
      %get3A_162 = arith.index_cast %mul3A_161 : i32 to index
      %get3A_163 = tpu.vector_load %arg11[%get3A_162] {strides = array<i32>} : memref<272xi32, #tpu.memory_space<vmem>>, vector<16xi32>,
      %swap3A_164 = arith.constant 0 : index
      %swap3A_165 = tpu.vector_load %arg14[%swap3A_164] {strides = array<i32>} : memref<16xi32, #tpu.memory_space<vmem>>, vector<16xi32>,
      tpu.vector_store %arg14[%swap3A_164], %get3A_163 {strides = array<i32>} : memref<16xi32, #tpu.memory_space<vmem>>, vector<16xi32>,
      %dma_start3A_166 = arith.constant 0 : i32
      %dma_start3A_167 = arith.constant 0 : i32
      %dma_start3A_168 = tpu.memref_slice %arg3[%dma_start3A_166, %dma_start3A_167] : memref<1024x1024xf32, #tpu.memory_space<hbm>> -> memref<1024x1024xf32, #tpu.memory_space<hbm>>
      tpu.enqueue_indirect_dma source(%dma_start3A_168 : memref<1024x1024xf32, #tpu.memory_space<hbm>>) target(%arg17 : memref<16x1024xf32, #tpu.memory_space<vmem>>) offsets(%arg13 : memref<16xi32, #tpu.memory_space<vmem>>) semaphore(%arg19 : memref<!tpu.dma_semaphore, #tpu.memory_space<semaphore_mem>>)
      %dma_wait3A_169 = arith.constant 0 : i32
      %dma_wait3A_170 = arith.constant 0 : i32
      %dma_wait3A_171 = tpu.memref_slice %arg3[%dma_wait3A_169, %dma_wait3A_170] : memref<1024x1024xf32, #tpu.memory_space<hbm>> -> memref<1024x1024xf32, #tpu.memory_space<hbm>>
      tpu.wait_indirect_dma semaphore(%arg19 : memref<!tpu.dma_semaphore, #tpu.memory_space<semaphore_mem>>) src(%dma_wait3A_171 : memref<1024x1024xf32, #tpu.memory_space<hbm>>) dst(%arg17 : memref<16x1024xf32, #tpu.memory_space<vmem>>)
      %dma_start3A_172 = arith.constant 0 : i32
      %dma_start3A_173 = arith.constant 0 : i32
      %dma_start3A_174 = tpu.memref_slice %arg5[%dma_start3A_172, %dma_start3A_173] : memref<8192x1024xf32, #tpu.memory_space<hbm>> -> memref<8192x1024xf32, #tpu.memory_space<hbm>>
      tpu.enqueue_indirect_dma source(%arg17 : memref<16x1024xf32, #tpu.memory_space<vmem>>) target(%dma_start3A_174 : memref<8192x1024xf32, #tpu.memory_space<hbm>>) offsets(%arg14 : memref<16xi32, #tpu.memory_space<vmem>>) semaphore(%arg21 : memref<!tpu.dma_semaphore, #tpu.memory_space<semaphore_mem>>)
      %dma_wait3A_175 = arith.constant 0 : i32
      %dma_wait3A_176 = arith.constant 0 : i32
      %dma_wait3A_177 = tpu.memref_slice %arg5[%dma_wait3A_175, %dma_wait3A_176] : memref<8192x1024xf32, #tpu.memory_space<hbm>> -> memref<8192x1024xf32, #tpu.memory_space<hbm>>
      tpu.wait_indirect_dma semaphore(%arg21 : memref<!tpu.dma_semaphore, #tpu.memory_space<semaphore_mem>>) src(%arg17 : memref<16x1024xf32, #tpu.memory_space<vmem>>) dst(%dma_wait3A_177 : memref<8192x1024xf32, #tpu.memory_space<hbm>>)
    }
    return
  }
}

module attributes {stable_mosaic.version = 14 : i64} {
  func.func @_positions_kernel(%arg0: memref<4x2048xi32, #tpu.memory_space<vmem>>, %arg1: memref<10xi32, #tpu.memory_space<smem>>, %arg2: memref<32x256xi32, #tpu.memory_space<vmem>>) attributes {dimension_semantics = [], scalar_prefetch = 0 : i64, scratch_operands = 0 : i64, tpu.core_type = #tpu.core_type<tc>} {
    %get3A = arith.constant 0 : index
    %get3A_0 = arith.constant 0 : index
    %get3A_1 = vector.load %arg0[%get3A, %get3A_0] : memref<4x2048xi32, #tpu.memory_space<vmem>>, vector<4x2048xi32>
    %get3A_2 = arith.constant 0 : index
    %get3A_3 = memref.load %arg1[%get3A_2] : memref<10xi32, #tpu.memory_space<smem>>
    %ge3A = vector.broadcast %get3A_3 : i32 to vector<4x2048xi32>
    %ge3A_4 = arith.cmpi sge, %get3A_1, %ge3A : vector<4x2048xi32>
    %get3A_5 = arith.constant 9 : index
    %get3A_6 = memref.load %arg1[%get3A_5] : memref<10xi32, #tpu.memory_space<smem>>
    %le3A = vector.broadcast %get3A_6 : i32 to vector<4x2048xi32>
    %le3A_7 = arith.cmpi sle, %get3A_1, %le3A : vector<4x2048xi32>
    %and3A = arith.andi %ge3A_4, %le3A_7 : vector<4x2048xi1>
    %iota3A = tpu.iota {dimensions = array<i32: 1>} : vector<4x2048xi32>
    %jit3A = arith.constant -1 : i32
    %broadcast_in_dim3A = vector.broadcast %jit3A : i32 to vector<4x2048xi32>
    %select_n3A = arith.select %and3A, %broadcast_in_dim3A, %iota3A : vector<4x2048xi1>, vector<4x2048xi32>
    %broadcast_in_dim3A_8 = arith.constant -1 : i32
    %broadcast_in_dim3A_9 = vector.broadcast %broadcast_in_dim3A_8 : i32 to vector<4x1xi32>
    %slice3A = vector.extract_strided_slice %select_n3A {offsets = [0, 0], sizes = [4, 2047], strides = [1, 1]} : vector<4x2048xi32> to vector<4x2047xi32>
    %concatenate3A = tpu.concatenate %broadcast_in_dim3A_9, %slice3A in 1 : vector<4x1xi32>, vector<4x2047xi32> -> vector<4x2048xi32>
    %max3A = arith.maxsi %select_n3A, %concatenate3A : vector<4x2048xi32>
    %broadcast_in_dim3A_10 = arith.constant -1 : i32
    %broadcast_in_dim3A_11 = vector.broadcast %broadcast_in_dim3A_10 : i32 to vector<4x2xi32>
    %slice3A_12 = vector.extract_strided_slice %max3A {offsets = [0, 0], sizes = [4, 2046], strides = [1, 1]} : vector<4x2048xi32> to vector<4x2046xi32>
    %concatenate3A_13 = tpu.concatenate %broadcast_in_dim3A_11, %slice3A_12 in 1 : vector<4x2xi32>, vector<4x2046xi32> -> vector<4x2048xi32>
    %max3A_14 = arith.maxsi %max3A, %concatenate3A_13 : vector<4x2048xi32>
    %broadcast_in_dim3A_15 = arith.constant -1 : i32
    %broadcast_in_dim3A_16 = vector.broadcast %broadcast_in_dim3A_15 : i32 to vector<4x4xi32>
    %slice3A_17 = vector.extract_strided_slice %max3A_14 {offsets = [0, 0], sizes = [4, 2044], strides = [1, 1]} : vector<4x2048xi32> to vector<4x2044xi32>
    %concatenate3A_18 = tpu.concatenate %broadcast_in_dim3A_16, %slice3A_17 in 1 : vector<4x4xi32>, vector<4x2044xi32> -> vector<4x2048xi32>
    %max3A_19 = arith.maxsi %max3A_14, %concatenate3A_18 : vector<4x2048xi32>
    %broadcast_in_dim3A_20 = arith.constant -1 : i32
    %broadcast_in_dim3A_21 = vector.broadcast %broadcast_in_dim3A_20 : i32 to vector<4x8xi32>
    %slice3A_22 = vector.extract_strided_slice %max3A_19 {offsets = [0, 0], sizes = [4, 2040], strides = [1, 1]} : vector<4x2048xi32> to vector<4x2040xi32>
    %concatenate3A_23 = tpu.concatenate %broadcast_in_dim3A_21, %slice3A_22 in 1 : vector<4x8xi32>, vector<4x2040xi32> -> vector<4x2048xi32>
    %max3A_24 = arith.maxsi %max3A_19, %concatenate3A_23 : vector<4x2048xi32>
    %broadcast_in_dim3A_25 = arith.constant -1 : i32
    %broadcast_in_dim3A_26 = vector.broadcast %broadcast_in_dim3A_25 : i32 to vector<4x16xi32>
    %slice3A_27 = vector.extract_strided_slice %max3A_24 {offsets = [0, 0], sizes = [4, 2032], strides = [1, 1]} : vector<4x2048xi32> to vector<4x2032xi32>
    %concatenate3A_28 = tpu.concatenate %broadcast_in_dim3A_26, %slice3A_27 in 1 : vector<4x16xi32>, vector<4x2032xi32> -> vector<4x2048xi32>
    %max3A_29 = arith.maxsi %max3A_24, %concatenate3A_28 : vector<4x2048xi32>
    %broadcast_in_dim3A_30 = arith.constant -1 : i32
    %broadcast_in_dim3A_31 = vector.broadcast %broadcast_in_dim3A_30 : i32 to vector<4x32xi32>
    %slice3A_32 = vector.extract_strided_slice %max3A_29 {offsets = [0, 0], sizes = [4, 2016], strides = [1, 1]} : vector<4x2048xi32> to vector<4x2016xi32>
    %concatenate3A_33 = tpu.concatenate %broadcast_in_dim3A_31, %slice3A_32 in 1 : vector<4x32xi32>, vector<4x2016xi32> -> vector<4x2048xi32>
    %max3A_34 = arith.maxsi %max3A_29, %concatenate3A_33 : vector<4x2048xi32>
    %broadcast_in_dim3A_35 = arith.constant -1 : i32
    %broadcast_in_dim3A_36 = vector.broadcast %broadcast_in_dim3A_35 : i32 to vector<4x64xi32>
    %slice3A_37 = vector.extract_strided_slice %max3A_34 {offsets = [0, 0], sizes = [4, 1984], strides = [1, 1]} : vector<4x2048xi32> to vector<4x1984xi32>
    %concatenate3A_38 = tpu.concatenate %broadcast_in_dim3A_36, %slice3A_37 in 1 : vector<4x64xi32>, vector<4x1984xi32> -> vector<4x2048xi32>
    %max3A_39 = arith.maxsi %max3A_34, %concatenate3A_38 : vector<4x2048xi32>
    %broadcast_in_dim3A_40 = arith.constant -1 : i32
    %broadcast_in_dim3A_41 = vector.broadcast %broadcast_in_dim3A_40 : i32 to vector<4x128xi32>
    %slice3A_42 = vector.extract_strided_slice %max3A_39 {offsets = [0, 0], sizes = [4, 1920], strides = [1, 1]} : vector<4x2048xi32> to vector<4x1920xi32>
    %concatenate3A_43 = tpu.concatenate %broadcast_in_dim3A_41, %slice3A_42 in 1 : vector<4x128xi32>, vector<4x1920xi32> -> vector<4x2048xi32>
    %max3A_44 = arith.maxsi %max3A_39, %concatenate3A_43 : vector<4x2048xi32>
    %broadcast_in_dim3A_45 = arith.constant -1 : i32
    %broadcast_in_dim3A_46 = vector.broadcast %broadcast_in_dim3A_45 : i32 to vector<4x256xi32>
    %slice3A_47 = vector.extract_strided_slice %max3A_44 {offsets = [0, 0], sizes = [4, 1792], strides = [1, 1]} : vector<4x2048xi32> to vector<4x1792xi32>
    %concatenate3A_48 = tpu.concatenate %broadcast_in_dim3A_46, %slice3A_47 in 1 : vector<4x256xi32>, vector<4x1792xi32> -> vector<4x2048xi32>
    %max3A_49 = arith.maxsi %max3A_44, %concatenate3A_48 : vector<4x2048xi32>
    %broadcast_in_dim3A_50 = arith.constant -1 : i32
    %broadcast_in_dim3A_51 = vector.broadcast %broadcast_in_dim3A_50 : i32 to vector<4x512xi32>
    %slice3A_52 = vector.extract_strided_slice %max3A_49 {offsets = [0, 0], sizes = [4, 1536], strides = [1, 1]} : vector<4x2048xi32> to vector<4x1536xi32>
    %concatenate3A_53 = tpu.concatenate %broadcast_in_dim3A_51, %slice3A_52 in 1 : vector<4x512xi32>, vector<4x1536xi32> -> vector<4x2048xi32>
    %max3A_54 = arith.maxsi %max3A_49, %concatenate3A_53 : vector<4x2048xi32>
    %sub3A = arith.subi %iota3A, %max3A_54 : vector<4x2048xi32>
    %jit3A_55 = arith.constant 0 : i32
    %broadcast_in_dim3A_56 = vector.broadcast %jit3A_55 : i32 to vector<4x2048xi32>
    %select_n3A_57 = arith.select %and3A, %sub3A, %broadcast_in_dim3A_56 : vector<4x2048xi1>, vector<4x2048xi32>
    %min3A = arith.constant 1023 : i32
    %min3A_58 = vector.broadcast %min3A : i32 to vector<4x2048xi32>
    %min3A_59 = arith.minsi %select_n3A_57, %min3A_58 : vector<4x2048xi32>
    %iota3A_60 = tpu.iota {dimensions = array<i32: 0>} : vector<4x2048xi32>
    %mul3A = arith.constant 8 : i32
    %mul3A_61 = vector.broadcast %mul3A : i32 to vector<4x2048xi32>
    %mul3A_62 = arith.muli %mul3A_61, %iota3A_60 : vector<4x2048xi32>
    %add3A = arith.addi %iota3A, %mul3A_62 : vector<4x2048xi32>
    %and3A_63 = arith.constant 31 : i32
    %and3A_64 = vector.broadcast %and3A_63 : i32 to vector<4x2048xi32>
    %and3A_65 = arith.andi %add3A, %and3A_64 : vector<4x2048xi32>
    %eq3A = arith.constant 0 : i32
    %eq3A_66 = vector.broadcast %eq3A : i32 to vector<4x2048xi32>
    %eq3A_67 = arith.cmpi eq, %min3A_59, %eq3A_66 : vector<4x2048xi32>
    %lt3A = arith.constant 16 : i32
    %lt3A_68 = vector.broadcast %lt3A : i32 to vector<4x2048xi32>
    %lt3A_69 = arith.cmpi slt, %min3A_59, %lt3A_68 : vector<4x2048xi32>
    %mul3A_70 = arith.constant 16 : i32
    %mul3A_71 = vector.broadcast %mul3A_70 : i32 to vector<4x2048xi32>
    %mul3A_72 = arith.muli %and3A_65, %mul3A_71 : vector<4x2048xi32>
    %add3A_73 = arith.addi %mul3A_72, %min3A_59 : vector<4x2048xi32>
    %add3A_74 = arith.constant 512 : i32
    %add3A_75 = vector.broadcast %add3A_74 : i32 to vector<4x2048xi32>
    %add3A_76 = arith.addi %add3A_75, %min3A_59 : vector<4x2048xi32>
    %select_n3A_77 = arith.select %lt3A_69, %add3A_73, %add3A_76 : vector<4x2048xi1>, vector<4x2048xi32>
    %jit3A_78 = arith.constant 0 : i32
    %broadcast_in_dim3A_79 = vector.broadcast %jit3A_78 : i32 to vector<4x2048xi32>
    %select_n3A_80 = arith.select %eq3A_67, %broadcast_in_dim3A_79, %select_n3A_77 : vector<4x2048xi1>, vector<4x2048xi32>
    %reshape3A = vector.shape_cast %select_n3A_80 : vector<4x2048xi32> to vector<32x256xi32>
    %swap3A = arith.constant 0 : index
    %swap3A_81 = arith.constant 0 : index
    %swap3A_82 = vector.load %arg2[%swap3A, %swap3A_81] : memref<32x256xi32, #tpu.memory_space<vmem>>, vector<32x256xi32>
    tpu.vector_store %arg2[%swap3A, %swap3A_81], %reshape3A {strides = array<i32>} : memref<32x256xi32, #tpu.memory_space<vmem>>, vector<32x256xi32>,
    return
  }
}

module attributes {stable_mosaic.version = 14 : i64} {
  func.func @_build_table_kernel(%arg0: i32, %arg1: memref<128x1024xf32, #tpu.memory_space<vmem>>, %arg2: memref<128x1024xf32, #tpu.memory_space<vmem>>) attributes {dimension_semantics = [#tpu.dimension_semantics<arbitrary>], iteration_bounds = array<i64: 4>, scalar_prefetch = 0 : i64, scratch_operands = 0 : i64, tpu.core_type = #tpu.core_type<tc>, window_params = [{transform_indices = @transform_0, window_bounds = array<i64: 128, 1024>}, {transform_indices = @transform_1, window_bounds = array<i64: 128, 1024>}]} {
    %get3A = arith.constant 0 : index
    %get3A_0 = arith.constant 0 : index
    %get3A_1 = vector.load %arg1[%get3A, %get3A_0] : memref<128x1024xf32, #tpu.memory_space<vmem>>, vector<128x1024xf32>
    %slice3A = vector.extract_strided_slice %get3A_1 {offsets = [0, 0], sizes = [16, 1024], strides = [1, 1]} : vector<128x1024xf32> to vector<16x1024xf32>
    %concatenate3A = tpu.concatenate %slice3A, %slice3A, %slice3A, %slice3A, %slice3A, %slice3A, %slice3A, %slice3A in 0 : vector<16x1024xf32>, vector<16x1024xf32>, vector<16x1024xf32>, vector<16x1024xf32>, vector<16x1024xf32>, vector<16x1024xf32>, vector<16x1024xf32>, vector<16x1024xf32> -> vector<128x1024xf32>
    %swap3A = arith.constant 0 : index
    %swap3A_2 = arith.constant 0 : index
    %swap3A_3 = vector.load %arg2[%swap3A, %swap3A_2] : memref<128x1024xf32, #tpu.memory_space<vmem>>, vector<128x1024xf32>
    tpu.vector_store %arg2[%swap3A, %swap3A_2], %concatenate3A {strides = array<i32>} : memref<128x1024xf32, #tpu.memory_space<vmem>>, vector<128x1024xf32>,
    return
  }
  func.func @transform_0(%arg0: i32) -> (i32, i32) {
    %c0_i32 = arith.constant 0 : i32
    %c0_i32_0 = arith.constant 0 : i32
    %c0_i32_1 = arith.constant 0 : i32
    return %c0_i32, %c0_i32_0 : i32, i32
  }
  func.func @transform_1(%arg0: i32) -> (i32, i32) {
    %c0_i32 = arith.constant 0 : i32
    %c0_i32_0 = arith.constant 0 : i32
    return %arg0, %c0_i32 : i32, i32
  }
}

</mosaic_0001>

<sc_bundles>
// kernel: kernel.5.cloned.1.call-start
scs
__scs_entry_jumppad:
0x0: {  	(pc) =	sbr.rel $0x88, $3  }
0x1: {  	(tag) =	ssettag $0x0;
	lr =	simm.s32 $0x1  }
0x2: {  	[smem:$0x3F9E] =	sst lr;
	_ =	strace $0xD0000000  }
0x3: {  	_ = 	snop  }
0x4: {  	_ = 	snop  }
0x5: {  	_ = 	snop  }
0x6: {  	_ = 	snop  }
0x7: {  	_ = 	snop  }
__scs_overlays_trampoline_lowered:
0x8: {  	[smem:$0x3FAD] =	sst s0  }
0x9: {  	[smem:$0x3FAE] =	sst s1  }
0xa: {  	[smem:$0x3FAF] =	sst s2  }
0xb: {  	[smem:$0x3FB0] =	sst s3  }
0xc: {  	[smem:$0x3FB1] =	sst s4  }
0xd: {  	[smem:$0x3FB2] =	sst s5  }
0xe: {  	[smem:$0x3FB3] =	sst s6  }
0xf: {  	[smem:$0x3FB4] =	sst s7  }
0x10: {  	[smem:$0x3FB5] =	sst s8  }
0x11: {  	[smem:$0x3FB6] =	sst s9;
	s0 =	simm.s32 @!p0 $0x0  }
0x12: {  	s1 =	sld [smem:$0x3F9C];
	s0 =	simm.s32 @p0 $0x1  }
0x13: {  	[smem:$0x3FB7] =	sst s0;
	s0 =	simm.s32 @!p1 $0x0  }
0x14: {  	s2 =	sld [smem:$0x3F9B];
	s0 =	simm.s32 @p1 $0x1  }
0x15: {  	[smem:$0x3FB8] =	sst s0;
	s0 =	simm.s32 @!p2 $0x0  }
0x16: {  	s3 =	sld [smem:$0x3FDB];
	s0 =	simm.s32 @p2 $0x1  }
0x17: {  	s4 =	simm.s32 $0x1BF5;
	[smem:$0x3FBA] =	sst s0  }
0x18: {  	s0 =	sld [smem:$0x3F9D];
	_ =	swait.ge [sflag:s4], $0x0  }
0x19: {  	s7 =	sld [smem:$0x3F9E]  }
0x1a: {  	s8 =	sadd.s32 $0xFFFFE003, lr  }
0x1b: {  	s9 =	sadd.s32 $0xFFFFFEF7, lr;
	s5 =	simm.s32 $0xFFFFFFFF;
	p2 =	slt.u32 s8, $0xFFFFF086  }
0x1c: {  	p1 =	slt.u32 s9, $0xF7A;
	s5 =	simm.s32 @!p2 $0x0  }
0x1d: {  	s5 =	simm.s32 @p1 $0x1;
	p0 =	seq.s32 s7, s2  }
0x1e: {  	s7 =	smul.u32 @!p0 $0xF7A, s2;
	p2 =	seq.s32 @!p0 s5, $0x0  }
0x1f: {  	s9 =	smul.u32 $0xF7A, s1;
	s8 =	simm.s32 @!p0 $0x1BF5;
	p2 =	por !p2, p0  }
0x20: {  	[sflag:s8] =	ssyncset.s32 @!p0 $0xFFFFF086;
	s6 =	sadd.s32 @!p0 s3, s7;
	s7 =	simm.s32 @!p0 $0x108  }
0x21: {  	s3 =	sadd.s32 s3, s9;
	s6 =	sadd.s32 @!p0 $0x88, s6;
	s7 =	simm.s32 @p2 $0x1082  }
0x22: {  	[simem:s7], [sflag:s8] =	dma.local @!p0 [hbm:s6], $0xF7A  }
0x23: {  	s9 =	sor.u32 $0xD0000000, s2;
	s6 =	simm.s32 $0x108;
	_ =	swait.ge @!p0 [sflag:s8], $0x0  }
0x24: {  	s3 =	sadd.s32 $0x88, s3;
	s6 =	simm.s32 @!p1 $0x1082;
	[sflag:s4] =	ssyncset.s32 $0xFFFFF086  }
0x25: {  	[simem:s6], [sflag:s4] =	dma.local [hbm:s3], $0xF7A  }
0x26: {  	[smem:$0x3F9E] =	sst s1;
	(tag) =	ssettag s2;
	_ =	strace s9  }
0x27: {  	s1 =	sld [smem:$0x3FAE]  }
0x28: {  	s2 =	sld [smem:$0x3FAF]  }
0x29: {  	s4 =	sld [smem:$0x3FB1]  }
0x2a: {  	p0 =	seq.s32 s5, $0x0;
	s5 =	sld [smem:$0x3FB2]  }
0x2b: {  	s6 =	sld [smem:$0x3FB3]  }
0x2c: {  	s7 =	sld [smem:$0x3FB4]  }
0x2d: {  	s3 =	simm.s32 $0x108;
	s8 =	sld [smem:$0x3FB5]  }
0x2e: {  	s3 =	simm.s32 @!p0 $0x1082;
	s9 =	sld [smem:$0x3FB6]  }
0x2f: {  	lr =	sadd.s32 s0, s3;
	s0 =	sld [smem:$0x3FAD]  }
0x30: {  	s3 =	sld [smem:$0x3FB0]  }
0x31: {  	[smem:$0x3FB9] =	sst s10  }
0x32: {  	s10 =	sld [smem:$0x3FB7];
	_ =	sdelay $0x3  }
0x33: {  	p0 =	seq.s32 s10, $0x1;
	s10 =	sld [smem:$0x3FB9];
	_ =	sdelay $0x3  }
0x34: {  	[smem:$0x3FB9] =	sst s10  }
0x35: {  	s10 =	sld [smem:$0x3FB8];
	_ =	sdelay $0x3  }
0x36: {  	p1 =	seq.s32 s10, $0x1;
	s10 =	sld [smem:$0x3FB9];
	_ =	sdelay $0x3  }
0x37: {  	[smem:$0x3FB9] =	sst s10  }
0x38: {  	s10 =	sld [smem:$0x3FBA]  }
0x39: {  	_ = 	snop;
	(pc) =	sbr.ind lr, $3  }
0x3a: {  	_ = 	snop  }
0x3b: {  	_ = 	snop  }
0x3c: {  	p2 =	seq.s32 s10, $0x1;
	s10 =	sld [smem:$0x3FB9]  }
0x3d: {  	_ =	shalt  }
0x3e: {  	_ =	shalt  }
0x3f: {  	_ =	shalt  }
0x40: {  	_ =	shalt  }
0x41: {  	_ =	shalt  }
0x42: {  	_ =	shalt  }
0x43: {  	_ =	shalt  }
0x44: {  	_ =	shalt  }
0x45: {  	_ =	shalt  }
0x46: {  	_ =	shalt  }
0x47: {  	_ =	shalt  }
0x48: {  	_ =	shalt  }
0x49: {  	_ =	shalt  }
0x4a: {  	_ =	shalt  }
0x4b: {  	_ =	shalt  }
0x4c: {  	_ =	shalt  }
0x4d: {  	_ =	shalt  }
0x4e: {  	_ =	shalt  }
0x4f: {  	_ =	shalt  }
0x50: {  	_ =	shalt  }
0x51: {  	_ =	shalt  }
0x52: {  	_ =	shalt  }
0x53: {  	_ =	shalt  }
0x54: {  	_ =	shalt  }
0x55: {  	_ =	shalt  }
0x56: {  	_ =	shalt  }
0x57: {  	_ =	shalt  }
0x58: {  	_ =	shalt  }
0x59: {  	_ =	shalt  }
0x5a: {  	_ =	shalt  }
0x5b: {  	_ =	shalt  }
0x5c: {  	_ =	shalt  }
0x5d: {  	_ =	shalt  }
0x5e: {  	_ =	shalt  }
0x5f: {  	_ =	shalt  }
0x60: {  	_ =	shalt  }
0x61: {  	_ =	shalt  }
0x62: {  	_ =	shalt  }
0x63: {  	_ =	shalt  }
0x64: {  	_ =	shalt  }
0x65: {  	_ =	shalt  }
0x66: {  	_ =	shalt  }
0x67: {  	_ =	shalt  }
0x68: {  	_ =	shalt  }
0x69: {  	_ =	shalt  }
0x6a: {  	_ =	shalt  }
0x6b: {  	_ =	shalt  }
0x6c: {  	_ =	shalt  }
0x6d: {  	_ =	shalt  }
0x6e: {  	_ =	shalt  }
0x6f: {  	_ =	shalt  }
0x70: {  	_ =	shalt  }
0x71: {  	_ =	shalt  }
0x72: {  	_ =	shalt  }
0x73: {  	_ =	shalt  }
0x74: {  	_ =	shalt  }
0x75: {  	_ =	shalt  }
0x76: {  	_ =	shalt  }
0x77: {  	_ =	shalt  }
0x78: {  	_ =	shalt  }
0x79: {  	_ =	shalt  }
0x7a: {  	_ =	shalt  }
0x7b: {  	_ =	shalt  }
0x7c: {  	_ =	shalt  }
0x7d: {  	_ =	shalt  }
0x7e: {  	_ =	shalt  }
0x7f: {  	_ =	shalt  }
0x80: {  	_ =	shalt  }
0x81: {  	_ =	shalt  }
0x82: {  	_ =	shalt  }
0x83: {  	_ =	shalt  }
0x84: {  	_ =	shalt  }
0x85: {  	_ =	shalt  }
0x86: {  	_ =	shalt  }
0x87: {  	_ =	shalt  }
.Lfunc_end0:
.L_simem_size_0:
called_computation_lowered:
.L_overlay_start_0:
0x88: {  	s2 =	sld [smem:$0x3FD9]  }
0x89: {  	s3 =	sld [smem:$0x3FFE];
	_ =	sdelay $0x1  }
0x8a: {  	s1 =	srdreg.scid  }
0x8b: {  	s0 =	sand.u32 $0x1, s1  }
0x8c: {  	s17 =	sshll.u32 s0, $0xA;
	s2 =	sadd.s32 s3, s2  }
0x8d: {  	s2 =	sadd.s32 s2, s17  }
0x8e: {  	[smem:$0x3FC5] =	sst s2  }
0x8f: {  	_ = 	snop  }
0x90: {  	s2 =	sld [smem:$0x3FC8]  }
0x91: {  	s18 =	sld [smem:$0x3FD0];
	(tm) =	ssettm $0x1  }
0x92: {  	s4 =	sld [smem:$0x3FFB];
	_ =	sdelay $0x3  }
0x93: {  	_ =	strace s4  }
0x94: {  	s4 =	sld [smem:$0x3FFC];
	_ =	sdelay $0x3  }
0x95: {  	_ =	strace s4  }
0x96: {  	s4 =	sld [smem:$0x3FFD];
	_ =	sdelay $0x3  }
0x97: {  	_ =	strace s4  }
0x98: {  	_ =	strace $0x8FFFFFFF  }
0x99: {  	s19 =	sld [smem:$0x3FDB];
	_ =	sdelay $0x1  }
0x9a: {  	s5 =	simm.s32 $_scs_section_size  }
0x9b: {  	s6 =	simm.s32 $_size__tile_overlayer_lowered;
	s7 =	simm.s32 $_tile_overlayer_lowered  }
0x9c: {  	s22 =	simm.s32 $0x1BFF;
	s21 =	sshll.u32 s7, $0x1;
	s4 =	sadd.s32 s5, s19  }
0x9d: {  	s8 =	simm.s32 $0x0;
	s20 =	sshll.u32 s6, $0x1;
	s6 =	sadd.s32 s21, s4  }
0x9e: {  	[timem:s8], [sflag:s22] =	dma.local [hbm:s6], s20  }
0x9f: {  	_ =	swait.ge [sflag:s22], s20  }
0xa0: {  	s5 =	ssub.s32 $0x0, s20;
	[sflag:s22] =	ssyncset.done $0x0  }
0xa1: {  	[sflag:s22] =	ssyncadd.s32 s5;
	_ =	sdelay $0x1  }
0xa2: {  	s23 =	simm.s32 $0x1B8B  }
0xa3: {  	_ =	swait.ge [sflag:s23], $0x1  }
0xa4: {  	[sflag:s23] =	ssyncset.done $0x0  }
0xa5: {  	s25 =	simm.s32 $0x1B8E;
	s24 =	sld [smem:$0x3FFE];
	[sflag:s23] =	ssyncadd.s32 $0xFFFFFFFF  }
0xa6: {  	s26 =	simm.s32 $execute0_lowered;
	[smem:$0x3FD2] =	sst s25  }
0xa7: {  	s6 =	sshll.u32 s26, $0x1;
	_ =	strace $0x80000046;
	[dreg:$0x1] =	wrdreg $0xFFFFFFFF  }
0xa8: {  	s28 =	simm.s32 $_size_execute0_lowered;
	s4 =	sadd.s32 s4, s6;
	[dreg:$0x0] =	wrdreg $0x0  }
0xa9: {  	s6 =	sshll.u32 s28, $0x1;
	[dreg:$0x2] =	wrdreg s4  }
0xaa: {  	[dreg:$0x3] =	wrdreg s6  }
0xab: {  	[dreg:$0x4] =	wrdreg $0xC0  }
0xac: {  	_ =	task [dreg:s8], $0x5FFFF  }
0xad: {  	[dreg:$0x1] =	wrdreg $0xFFFFFFFF  }
0xae: {  	[dreg:$0x0] =	wrdreg $0x60  }
0xaf: {  	[dreg:$0x2] =	wrdreg s24  }
0xb0: {  	[dreg:$0x3] =	wrdreg s2  }
0xb1: {  	[dreg:$0x4] =	wrdreg s18  }
0xb2: {  	[dreg:$0x5] =	wrdreg $0x9  }
0xb3: {  	_ =	task.clear_ibuf [dreg:s8], $0x6FFFF;
	_ =	strace $0x90000046  }
0xb4: {  	s29 =	simm.s32 $0x9;
	_ =	strace $0x80000048  }
0xb5: {  	_ =	swait.ge [sflag:s29], $0x1  }
0xb6: {  	[sflag:s29] =	ssyncadd.s32 $0xFFFFFFFF  }
0xb7: {  	_ =	strace $0x90000048  }
0xb8: {  	_ =	sfence  }
0xb9: {  	s30 =	sld [smem:$0x0];
	_ =	sdelay $0x2  }
0xba: {  	s31 =	sshll.u32 s1, $0xD;
	s1 =	sshrl.u32 s1, $0x2  }
0xbb: {  	s3 =	sand.u32 $0x4000, s31;
	s1 =	sadd.s32 s1, s30  }
0xbc: {  	s0 =	sor.u32 s3, s0;
	s1 =	sshll.u32 s1, $0x11  }
0xbd: {  	s0 =	sor.u32 s1, s0  }
0xbe: {  	s0 =	sadd.s32 $0x8F2B, s0  }
0xbf: {  	[sflag:s0] =	ssyncadd.remote.s32 $0x1  }
0xc0: {  	_ =	sfence.sel $0xFFFF  }
0xc1: {  	[dreg:$0x0] =	wrdreg $0xFFFFFFFF;
	(pc) =	sbr.abs _section_cstart, $3  }
0xc2: {  	[dreg:$0x1] =	wrdreg $0xFFFFFFFF  }
0xc3: {  	_ =	task.clear_ibuf [dreg:s8], $0x2FFFF;
	_ =	strace $0x9FFFFFFF  }
0xc4: {  	(tm) =	ssettm $0x7FFFFFFF  }
0xc5: {  	_ =	shalt  }
tec
execute0_lowered:
.L_overlay_start_1:
0x0: {  	(tag) =	ssettag $0x1  }
0x1: {  	s0 =	rddreg [dreg:$0x0]  }
0x2: {  	s1 =	srdreg.scid;
	s14 =	rddreg [dreg:$0x1]  }
0x3: {  	s4 =	stileid.u32;
	s3 =	rddreg [dreg:$0x2]  }
0x4: {  	s28 =	simm.s32 $0x1;
	s29 =	simm.s32 $0x8180;
	s30 =	simm.s32 $0x8300  }
0x5: {  	s31 =	simm.s32 $0x8480;
	s15 =	simm.s32 $0xB180;
	s16 =	simm.s32 $0xB980  }
0x6: {  	s1 =	sand.u32 $0x1, s1;
	s2 =	sshll.u32 s4, $0x1;
	s9 =	sshll.u32 s4, $0x9  }
0x7: {  	s4 =	simm.s32 $0x0;
	s2 =	sor.u32 s1, s2;
	s6 =	sand.u32 $0x1800, s9  }
0x8: {  	[smem:$0x7FF] =	sst s4;
	s17 =	ssub.s32 $0x2, s1;
	s25 =	sshll.u32 s1, $0x8  }
0x9: {  	s1 =	simm.s32 $0x8600;
	s5 =	sshll.u32 s2, $0x7;
	_ =	strace $0x80000047  }
0xa: {  	s8 =	sshrl.u32 s17, $0x1;
	s12 =	sadd.s32 $0x10, s2;
	s13 =	sshll.u32 s2, $0xF  }
0xb: {  	v1 =	vmov s2;
	s2 =	simm.s32 $0x0;
	s5 =	sand.u32 $0x380, s5;
	s11 =	ssub.s32 s17, s8  }
0xc: {  	s8 =	sadd.s32 $0x1100, s0;
	s18 =	sadd.s32 s3, s13;
	v2 =	vmov s12;
	s12 =	simm.s32 $0x9980  }
0xd: {  	s13 =	simm.s32 $0xA180;
	s19 =	sadd.s32 $0x1000, s18;
	[dreg:$0x4] =	wrdreg s18  }
0xe: {  	s17 =	simm.s32 $0xC180;
	s20 =	sadd.s32 $0x2000, s18;
	[dreg:$0x6] =	wrdreg s19  }
0xf: {  	s5 =	sor.u32 s5, s6;
	s21 =	sadd.s32 $0x3000, s18;
	[dreg:$0x7] =	wrdreg s20  }
0x10: {  	s6 =	sadd.s32 $0xF00, s0;
	s22 =	sadd.s32 $0x4000, s18;
	[dreg:$0x8] =	wrdreg s21  }
0x11: {  	v0 =	vlaneseq.u32;
	s23 =	sadd.s32 $0x5000, s18;
	s24 =	sadd.s32 $0x6000, s18;
	[dreg:$0x9] =	wrdreg s22  }
0x12: {  	v5 =	vmul.u32 $0x10, v0;
	s26 =	smax.u32 s11, $0x1;
	s11 =	simm.s32 $0x8980;
	[dreg:$0xa] =	wrdreg s23  }
0x13: {  	v1 =	vshll.u32 v1, $0x4;
	s7 =	sshrl.u32 s5, $0x3;
	s5 =	sadd.s32 $0xE00, s0;
	[dreg:$0xb] =	wrdreg s24  }
0x14: {  	v3 =	vshrl.u32 v0, $0x3;
	v1 =	vadd.s32 v5, v1;
	s19 =	sadd.s32 $0x200, s3;
	s20 =	sadd.s32 $0x300, s3;
	s22 =	sadd.s32 $0x100, s14  }
.Ltmp0:
0x15: {  	v4 =	vor.u32 $0x8, v0;
	v3 =	vmul.u32 $0x8, v3;
	[dreg:$0xe] =	wrdreg s26;
	s24 =	sadd.s32 $0x200, s14;
	v1 =	vand.u32 $0x1F0, v1;
	(pc) =	sbr.rel .LBB2_1-.Ltmp0, $4  }
0x16: {  	v6 =	vshll.u32 v2, $0x4;
	v2 =	vand.u32 $0x7, v0;
	s10 =	sadd.s32 s7, s0;
	s7 =	sadd.s32 $0x1000, s0;
	s0 =	sadd.s32 $0x7000, s18;
	v7 =	vshll.u32 v1, $0x3  }
0x17: {  	v5 =	vadd.s32 v5, v6;
	s23 =	simm.s32 $0x3;
	s10 =	sadd.s32 $0x10E00, s10;
	[dreg:$0xc] =	wrdreg s0;
	v8 =	vperm.xlane v7, v2;
	v7 =	vperm.xlane v7, v4  }
0x18: {  	vm0 =	vmmov $0xffff;
	s18 =	sadd.s32 $0x100, s3;
	v5 =	vand.u32 $0x1F0, v5;
	s0 =	sor.u32 s25, s9;
	[dreg:$0x5] =	wrdreg s10  }
0x19: {  	s25 =	sadd.s32 $0x300, s14;
	s14 =	simm.s32 $0xA980;
	[dreg:$0xd] =	wrdreg s0;
	v6 =	vadd.s32 v3, v8;
	v7 =	vadd.s32 v3, v7;
	v8 =	vimm.s32 $0x0  }
.LBB2_10:
0x1a: {  	s2 =	rddreg [dreg:$0xf]  }
0x1b: {  	s0 =	rddreg [dreg:$0xe];
	s2 =	sadd.s32 $0x1, s2  }
0x1c: {  	p0 =	sne.s32 s2, s0  }
.Ltmp1:
0x1d: {  	_ = 	snop;
	(pc) =	sbr.rel @!p0 .LBB2_11-.Ltmp1, $1  }
0x1e: {  	_ =	sdelay $0x3  }
.LBB2_1:
0x1f: {  	_ =	sdelay $0x1  }
0x20: {  	[tilespmem:$0x100] =	vst v1  }
0x21: {  	[dreg:$0xf] =	wrdreg s2;
	[tilespmem:$0x110] =	vst v5;
	s2 =	simm.s32 $0x180  }
0x22: {  	[tilespmem:s2], [sflag:$0x1] =	stream.indirect_vreg.gather [hbm4b:s5+s4], $0x80, v6, vm0, $0xb8;
	[tilespmem:$0x10980] =	vst v63  }
0x23: {  	s0 =	simm.s32 $0x980  }
0x24: {  	[tilespmem:s0], [sflag:$0x1] =	stream.indirect_vreg.gather [hbm4b:s6+s4], $0x80, v6, vm0, $0xb8;
	[tilespmem:$0x10980] =	vst v63  }
0x25: {  	s9 =	simm.s32 $0x1180  }
0x26: {  	[tilespmem:s9], [sflag:$0x1] =	stream.indirect_vreg.gather [hbm4b:s7+s4], $0x80, v6, vm0, $0xb8;
	[tilespmem:$0x10980] =	vst v63  }
0x27: {  	s10 =	simm.s32 $0x1980  }
0x28: {  	[tilespmem:s10], [sflag:$0x1] =	stream.indirect_vreg.gather [hbm4b:s8+s4], $0x80, v6, vm0, $0xb8;
	[tilespmem:$0x10980] =	vst v63  }
0x29: {  	s21 =	simm.s32 $0x2180  }
0x2a: {  	[tilespmem:s21], [sflag:$0x1] =	stream.indirect_vreg.gather [hbm4b:s5+s4], $0x80, v7, vm0, $0xb8;
	[tilespmem:$0x10980] =	vst v63  }
0x2b: {  	s26 =	simm.s32 $0x2980  }
0x2c: {  	[tilespmem:s26], [sflag:$0x1] =	stream.indirect_vreg.gather [hbm4b:s6+s4], $0x80, v7, vm0, $0xb8;
	[tilespmem:$0x10980] =	vst v63  }
0x2d: {  	s9 =	simm.s32 $0x3180  }
0x2e: {  	[tilespmem:s9], [sflag:$0x1] =	stream.indirect_vreg.gather [hbm4b:s7+s4], $0x80, v7, vm0, $0xb8;
	[tilespmem:$0x10980] =	vst v63  }
0x2f: {  	s10 =	simm.s32 $0x3980  }
0x30: {  	[tilespmem:s10], [sflag:$0x1] =	stream.indirect_vreg.gather [hbm4b:s8+s4], $0x80, v7, vm0, $0xb8;
	[tilespmem:$0x10980] =	vst v63  }
0x31: {  	v9 =	vld [tilespmem:$0x110];
	_ =	sdelay $0x4  }
0x32: {  	v10 =	vshll.u32 v9, $0x3  }
0x33: {  	v9 =	vand.u32 $0x7, v9;
	v10 =	vand.u32 $0xFFFFFFC0, v10  }
0x34: {  	v9 =	vor.u32 v9, v10  }
0x35: {  	v10 =	vperm.xlane v9, v2;
	_ =	sdelay $0x1  }
0x36: {  	v10 =	vadd.s32 v3, v10;
	_ =	sdelay $0x3  }
0x37: {  	s21 =	simm.s32 $0x4180  }
0x38: {  	[tilespmem:s21], [sflag:$0x1] =	stream.indirect_vreg.gather [hbm4b:s5+s4], $0x80, v10, vm0, $0xb8;
	[tilespmem:$0x10980] =	vst v63  }
0x39: {  	s26 =	simm.s32 $0x4980;
	v9 =	vperm.xlane v9, v4  }
0x3a: {  	[tilespmem:s26], [sflag:$0x1] =	stream.indirect_vreg.gather [hbm4b:s6+s4], $0x80, v10, vm0, $0xb8;
	[tilespmem:$0x10980] =	vst v63  }
0x3b: {  	s9 =	simm.s32 $0x5180;
	v9 =	vadd.s32 v3, v9  }
0x3c: {  	[tilespmem:s9], [sflag:$0x1] =	stream.indirect_vreg.gather [hbm4b:s7+s4], $0x80, v10, vm0, $0xb8;
	[tilespmem:$0x10980] =	vst v63  }
0x3d: {  	s10 =	simm.s32 $0x5980  }
0x3e: {  	[tilespmem:s10], [sflag:$0x1] =	stream.indirect_vreg.gather [hbm4b:s8+s4], $0x80, v10, vm0, $0xb8;
	[tilespmem:$0x10980] =	vst v63  }
0x3f: {  	s21 =	simm.s32 $0x6180  }
0x40: {  	[tilespmem:s21], [sflag:$0x1] =	stream.indirect_vreg.gather [hbm4b:s5+s4], $0x80, v9, vm0, $0xb8;
	[tilespmem:$0x10980] =	vst v63  }
0x41: {  	s26 =	simm.s32 $0x6980  }
0x42: {  	[tilespmem:s26], [sflag:$0x1] =	stream.indirect_vreg.gather [hbm4b:s6+s4], $0x80, v9, vm0, $0xb8;
	[tilespmem:$0x10980] =	vst v63  }
0x43: {  	s9 =	simm.s32 $0x7180  }
0x44: {  	[tilespmem:s9], [sflag:$0x1] =	stream.indirect_vreg.gather [hbm4b:s7+s4], $0x80, v9, vm0, $0xb8;
	[tilespmem:$0x10980] =	vst v63  }
0x45: {  	s10 =	simm.s32 $0x7980;
	s21 =	rddreg [dreg:$0x5]  }
0x46: {  	[tilespmem:s10], [sflag:$0x1] =	stream.indirect_vreg.gather [hbm4b:s8+s4], $0x80, v9, vm0, $0xb8;
	[tilespmem:$0x10980] =	vst v63  }
0x47: {  	s26 =	simm.s32 $0x4;
	s9 =	simm.s32 $0x80;
	s10 =	simm.s32 $0x400  }
0x48: {  	[tilespmem:s4], [sflag:$0x4] =	stream.strided.gather [hbm4b:s21+s9], $0x100, s10, s9, $0x38;
	[tilespmem:$0x10980] =	vst v63  }
0x49: {  	_ =	swait.ge [sflag:s26], $0x100  }
0x4a: {  	[sflag:s26] =	ssyncset.done $0x0  }
0x4b: {  	[sflag:s26] =	ssyncadd.s32 $0xFFFFFF00  }
0x4c: {  	_ =	swait.ge [sflag:s28], $0x8000  }
0x4d: {  	[sflag:s28] =	ssyncset.done $0x0  }
0x4e: {  	s9 =	rddreg [dreg:$0x4];
	[sflag:s28] =	ssyncadd.s32 $0xFFFF8000  }
0x4f: {  	[hbm4b:s9+s4] =	stream.linear.scatter [tilespmem:s2], [sflag:$0x3], $0x8000, $0x38;
	[tilespmem:$0x10980] =	vst v63  }
0x50: {  	s10 =	rddreg [dreg:$0x6]  }
0x51: {  	[hbm4b:s10+s4] =	stream.linear.scatter [tilespmem:s2], [sflag:$0x3], $0x8000, $0x38;
	[tilespmem:$0x10980] =	vst v63  }
0x52: {  	s21 =	rddreg [dreg:$0x7]  }
0x53: {  	[hbm4b:s21+s4] =	stream.linear.scatter [tilespmem:s2], [sflag:$0x3], $0x8000, $0x38;
	[tilespmem:$0x10980] =	vst v63  }
0x54: {  	s26 =	rddreg [dreg:$0x8]  }
0x55: {  	[hbm4b:s26+s4] =	stream.linear.scatter [tilespmem:s2], [sflag:$0x3], $0x8000, $0x38;
	[tilespmem:$0x10980] =	vst v63  }
0x56: {  	s9 =	rddreg [dreg:$0x9]  }
0x57: {  	[hbm4b:s9+s4] =	stream.linear.scatter [tilespmem:s2], [sflag:$0x3], $0x8000, $0x38;
	[tilespmem:$0x10980] =	vst v63  }
0x58: {  	s10 =	rddreg [dreg:$0xa]  }
0x59: {  	[hbm4b:s10+s4] =	stream.linear.scatter [tilespmem:s2], [sflag:$0x3], $0x8000, $0x38;
	[tilespmem:$0x10980] =	vst v63  }
0x5a: {  	s21 =	rddreg [dreg:$0xb]  }
0x5b: {  	[hbm4b:s21+s4] =	stream.linear.scatter [tilespmem:s2], [sflag:$0x3], $0x8000, $0x38;
	[tilespmem:$0x10980] =	vst v63  }
0x5c: {  	s26 =	rddreg [dreg:$0xc];
	s9 =	simm.s32 $0x0  }
0x5d: {  	[hbm4b:s26+s4] =	stream.linear.scatter [tilespmem:s2], [sflag:$0x3], $0x8000, $0x38;
	[tilespmem:$0x10980] =	vst v63  }
0x5e: {  	v9 =	vld [tilespmem:s9+$0x0];
	_ =	sdelay $0x4  }
0x5f: {  	v10 =	vadd.s32 $0xFFFFFFFF, v9  }
0x60: {  	vm1 =	vlt.u32 v10, $0x1FF  }
0x61: {  	vm2 =	vgt.s32 v9, $0x1FF;
	v10 =	vsel vm1, $0x1, v8  }
0x62: {  	(xrf0) =	vadd.scan.msk.s32 $0xffff, v10;
	v10 =	vsel vm2, $0x1, v8  }
0x63: {  	(xrf0) =	vadd.scan.msk.s32 $0xffff, v10;
	_ =	sdelay $0x4  }
0x64: {  	v10, _, _ =	vpop (xrf0)  }
0x65: {  	v11 =	vxor.u32 $0x80000000, v10;
	v12, _, _ =	vpop (xrf0)  }
0x66: {  	v13 =	vmov s4;
	(xrf0) =	vmax.scan.msk.u32 $0xffff, v11;
	v11 =	vxor.u32 $0x80000000, v12  }
0x67: {  	(xrf0) =	vmax.scan.msk.u32 $0xffff, v11;
	v11 =	vadd.s32 $0xFFFFFFFF, v13  }
0x68: {  	v11 =	vbroadcast v11, $0x0;
	_ =	sdelay $0x1  }
0x69: {  	v10 =	vadd.s32 v10, v11;
	_ =	sdelay $0x1  }
0x6a: {  	v11 =	vadd.s32 v12, v11  }
0x6b: {  	s10 =	rddreg [dreg:$0xd];
	v61, _, _ =	vpop (xrf0)  }
0x6c: {  	v63 =	vor.u32 s10, v0;
	(v2sf) =	vpush v61, $0xF;
	v62, _, _ =	vpop (xrf0)  }
0x6d: {  	(v2sf) =	vpush v62, $0xF;
	[tilespmem:v10+s29+$0x0] =	vst.idx.msk vm1, v63  }
0x6e: {  	[tilespmem:v10+s30+$0x0] =	vst.idx.msk vm1, v9  }
0x6f: {  	v9 =	vadd.s32 $0xFFFFFE00, v9;
	[tilespmem:v11+s31+$0x0] =	vst.idx.msk vm2, v63  }
0x70: {  	s21 =	simm.s32 $0x10;
	[tilespmem:v11+s1+$0x0] =	vst.idx.msk vm2, v9  }
0x71: {  	v9 =	vld [tilespmem:s21+$0x0];
	_ =	sdelay $0x4  }
0x72: {  	v10 =	vadd.s32 $0xFFFFFFFF, v9  }
0x73: {  	vm2 =	vlt.u32 v10, $0x1FF  }
0x74: {  	vm1 =	vgt.s32 v9, $0x1FF;
	v10 =	vsel vm2, $0x1, v8  }
0x75: {  	v11 =	vsel vm1, $0x1, v8;
	(xrf0) =	vadd.scan.msk.s32 $0xffff, v10  }
0x76: {  	(xrf0) =	vadd.scan.msk.s32 $0xffff, v11  }
0x77: {  	s0 =	sadd.s32 $0x10, s10;
	s2 =	simm.s32 $0x0;
	s26 =	spop (v2sf)  }
0x78: {  	s21 =	simm.s32 $0x80;
	s9 =	sadd.s32 $0x0, s26;
	s26 =	spop (v2sf)  }
.LBB2_2:
0x79: {  	s9 =	sadd.s32 $0x80000000, s9  }
0x7a: {  	s2 =	sadd.s32 s26, s2;
	s26 =	smov.u32 s21;
	s10 =	sadd.s32 $0x40, s21  }
0x7b: {  	p0 =	sne.s32 s21, $0x3C0;
	v10 =	vmov s9;
	v11, _, _ =	vpop (xrf0);
	s2 =	sadd.s32 $0x80000000, s2  }
0x7c: {  	v10 =	vadd.s32 $0xFFFFFFFF, v10;
	v12 =	vmov s2;
	v13 =	vxor.u32 $0x80000000, v11;
	v14, _, _ =	vpop (xrf0)  }
0x7d: {  	v10 =	vbroadcast v10, $0x0;
	v12 =	vadd.s32 $0xFFFFFFFF, v12;
	v15 =	vxor.u32 $0x80000000, v14;
	(xrf0) =	vmax.scan.msk.u32 $0xffff, v13  }
0x7e: {  	v12 =	vbroadcast v12, $0x0;
	(xrf0) =	vmax.scan.msk.u32 $0xffff, v15  }
0x7f: {  	v10 =	vadd.s32 v11, v10;
	_ =	sdelay $0x1  }
0x80: {  	v11 =	vadd.s32 v14, v12;
	_ =	sdelay $0x1  }
0x81: {  	v12 =	vor.u32 s0, v0;
	v13, _, _ =	vpop (xrf0)  }
0x82: {  	[tilespmem:v10+s29+$0x0] =	vst.idx.msk vm2, v12;
	(v2sf) =	vpush v13, $0xF;
	v13, _, _ =	vpop (xrf0)  }
0x83: {  	[tilespmem:v10+s30+$0x0] =	vst.idx.msk vm2, v9;
	(v2sf) =	vpush v13, $0xF  }
0x84: {  	v9 =	vadd.s32 $0xFFFFFE00, v9;
	[tilespmem:v11+s31+$0x0] =	vst.idx.msk vm1, v12  }
0x85: {  	s21 =	sshra.s32 s26, $0x2;
	[tilespmem:v11+s1+$0x0] =	vst.idx.msk vm1, v9  }
0x86: {  	v9 =	vld [tilespmem:s21+$0x0];
	_ =	sdelay $0x4  }
0x87: {  	v10 =	vadd.s32 $0xFFFFFFFF, v9  }
0x88: {  	vm1 =	vgt.s32 v9, $0x1FF;
	vm2 =	vlt.u32 v10, $0x1FF  }
0x89: {  	v11 =	vsel vm1, $0x1, v8;
	v10 =	vsel vm2, $0x1, v8  }
.Ltmp2:
0x8a: {  	(xrf0) =	vadd.scan.msk.s32 $0xffff, v10;
	(pc) =	sbr.rel @p0 .LBB2_2-.Ltmp2, $3  }
0x8b: {  	(xrf0) =	vadd.scan.msk.s32 $0xffff, v11;
	_ =	sdelay $0x1  }
0x8c: {  	s0 =	sadd.s32 $0x10, s0;
	s21 =	spop (v2sf)  }
0x8d: {  	s9 =	sadd.s32 s21, s9;
	s26 =	spop (v2sf);
	s21 =	smov.u32 s10  }
0x8e: {  	_ = 	snop  }
0x8f: {  	v10, _, _ =	vpop (xrf0)  }
0x90: {  	v11 =	vxor.u32 $0x80000000, v10  }
0x91: {  	(xrf0) =	vmax.scan.msk.u32 $0xffff, v11;
	_ =	sdelay $0x4  }
0x92: {  	v11, _, _ =	vpop (xrf0)  }
0x93: {  	v12, _, _ =	vpop (xrf0)  }
0x94: {  	(v2sf) =	vpush v12, $0xF;
	_ =	sdelay $0x3  }
0x95: {  	v60 =	vxor.u32 $0x80000000, v11  }
0x96: {  	(xrf0) =	vmax.scan.msk.u32 $0xffff, v60  }
0x97: {  	s9 =	sadd.s32 $0x80000000, s9  }
0x98: {  	s2 =	sadd.s32 s26, s2;
	v61 =	vmov s9  }
0x99: {  	s2 =	sadd.s32 $0x80000000, s2;
	v12 =	vadd.s32 $0xFFFFFFFF, v61  }
0x9a: {  	v13 =	vmov s2;
	v12 =	vbroadcast v12, $0x0  }
0x9b: {  	v13 =	vadd.s32 $0xFFFFFFFF, v13  }
0x9c: {  	v13 =	vbroadcast v13, $0x0;
	v10 =	vadd.s32 v10, v12;
	v62, _, _ =	vpop (xrf0)  }
0x9d: {  	(v2sf) =	vpush v62, $0xF  }
0x9e: {  	v11 =	vadd.s32 v11, v13;
	_ =	sdelay $0x1  }
0x9f: {  	v63 =	vor.u32 s0, v0;
	s26 =	spop (v2sf)  }
0xa0: {  	[tilespmem:v10+s29+$0x0] =	vst.idx.msk vm2, v63;
	s0 =	sadd.s32 s26, s9  }
0xa1: {  	[tilespmem:v10+s30+$0x0] =	vst.idx.msk vm2, v9;
	s0 =	sadd.s32 $0x80000000, s0  }
0xa2: {  	v9 =	vadd.s32 $0xFFFFFE00, v9;
	[tilespmem:v11+s31+$0x0] =	vst.idx.msk vm1, v63;
	p0 =	slt.s32 s0, $0x1  }
0xa3: {  	[tilespmem:v11+s1+$0x0] =	vst.idx.msk vm1, v9;
	v9 =	vlaneseq.u32 @!p0;
	s9 =	simm.s32 @!p0 $0x8180  }
0xa4: {  	v9 =	vadd.s32 @!p0 s0, v9;
	v10 =	vld.msk @!p0 [tilespmem:s9+$0x0], $0xffff;
	_ =	sdelay $0x4  }
0xa5: {  	[tilespmem:v9+s9+$0x0] =	vst.idx.msk @!p0 $0xffff, v10;
	s9 =	simm.s32 @!p0 $0x8300  }
0xa6: {  	v10 =	vld.msk @!p0 [tilespmem:s9+$0x0], $0xffff  }
0xa7: {  	s10 =	spop (v2sf)  }
0xa8: {  	s2 =	sadd.s32 s10, s2  }
0xa9: {  	s10 =	sadd.s32 $0x80000000, s2  }
0xaa: {  	p1 =	slt.s32 s10, $0x1  }
0xab: {  	s2 =	simm.s32 @!p1 $0x8480;
	[tilespmem:v9+s9+$0x0] =	vst.idx.msk @!p0 $0xffff, v10;
	v9 =	vlaneseq.u32 @!p1  }
0xac: {  	v9 =	vadd.s32 @!p1 s10, v9;
	v10 =	vld.msk @!p1 [tilespmem:s2+$0x0], $0xffff;
	_ =	sdelay $0x4  }
0xad: {  	[tilespmem:v9+s2+$0x0] =	vst.idx.msk @!p1 $0xffff, v10;
	s2 =	simm.s32 @!p1 $0x8600  }
0xae: {  	v10 =	vld.msk @!p1 [tilespmem:s2+$0x0], $0xffff  }
.Ltmp3:
0xaf: {  	_ = 	snop;
	(pc) =	sbr.rel @p0 .LBB2_5-.Ltmp3, $2  }
0xb0: {  	_ =	sdelay $0x2  }
0xb1: {  	[dreg:$0x10] =	wrdreg s10;
	[tilespmem:v9+s2+$0x0] =	vst.idx.msk @!p1 $0xffff, v10  }
0xb2: {  	v9 =	vld [tilespmem:$0x8300];
	_ =	sdelay $0x4  }
0xb3: {  	[tilespmem:$0x8780] =	vst v9  }
0xb4: {  	v9 =	vld [tilespmem:$0x8780];
	_ =	sdelay $0x4  }
0xb5: {  	v10 =	vshll.u32 v9, $0x3  }
0xb6: {  	v9 =	vand.u32 $0x7, v9;
	v10 =	vand.u32 $0xFFFFFFC0, v10  }
0xb7: {  	v9 =	vor.u32 v9, v10  }
0xb8: {  	v10 =	vperm.xlane v9, v2  }
0xb9: {  	v11 =	vld [tilespmem:$0x8180]  }
0xba: {  	v10 =	vadd.s32 v3, v10;
	_ =	sdelay $0x3  }
0xbb: {  	[tilespmem:$0x8800] =	vst v11  }
0xbc: {  	[tilespmem:s11], [sflag:$0x1] =	stream.indirect_vreg.gather [hbm4b:s5+s4], $0x80, v10, vm0, $0xb8;
	[tilespmem:$0x10980] =	vst v63  }
0xbd: {  	s2 =	simm.s32 $0x9180;
	v9 =	vperm.xlane v9, v4  }
0xbe: {  	[tilespmem:s2], [sflag:$0x1] =	stream.indirect_vreg.gather [hbm4b:s6+s4], $0x80, v10, vm0, $0xb8;
	[tilespmem:$0x10980] =	vst v63  }
0xbf: {  	v9 =	vadd.s32 v3, v9  }
0xc0: {  	[tilespmem:s12], [sflag:$0x1] =	stream.indirect_vreg.gather [hbm4b:s7+s4], $0x80, v10, vm0, $0xb8;
	[tilespmem:$0x10980] =	vst v63  }
0xc1: {  	_ = 	snop  }
0xc2: {  	[tilespmem:s13], [sflag:$0x1] =	stream.indirect_vreg.gather [hbm4b:s8+s4], $0x80, v10, vm0, $0xb8;
	[tilespmem:$0x10980] =	vst v63  }
0xc3: {  	_ = 	snop  }
0xc4: {  	[tilespmem:s14], [sflag:$0x1] =	stream.indirect_vreg.gather [hbm4b:s5+s4], $0x80, v9, vm0, $0xb8;
	[tilespmem:$0x10980] =	vst v63  }
0xc5: {  	_ = 	snop  }
0xc6: {  	[tilespmem:s15], [sflag:$0x1] =	stream.indirect_vreg.gather [hbm4b:s6+s4], $0x80, v9, vm0, $0xb8;
	[tilespmem:$0x10980] =	vst v63  }
0xc7: {  	_ = 	snop  }
0xc8: {  	[tilespmem:s16], [sflag:$0x1] =	stream.indirect_vreg.gather [hbm4b:s7+s4], $0x80, v9, vm0, $0xb8;
	[tilespmem:$0x10980] =	vst v63  }
0xc9: {  	p0 =	slt.u32 s0, $0x11  }
0xca: {  	[tilespmem:s17], [sflag:$0x1] =	stream.indirect_vreg.gather [hbm4b:s8+s4], $0x80, v9, vm0, $0xb8;
	[tilespmem:$0x10980] =	vst v63  }
0xcb: {  	v9 =	vld @!p0 [tilespmem:$0x8310];
	_ =	sdelay $0x4  }
0xcc: {  	[tilespmem:$0x8880] =	vst @!p0 v9  }
0xcd: {  	v9 =	vld @!p0 [tilespmem:$0x8880];
	_ =	sdelay $0x4  }
0xce: {  	v10 =	vshll.u32 @!p0 v9, $0x3  }
0xcf: {  	v11 =	vlaneseq.u32 @!p0;
	v9 =	vand.u32 @!p0 $0x7, v9;
	v10 =	vand.u32 @!p0 $0xFFFFFFC0, v10  }
0xd0: {  	v12 =	vshrl.u32 @!p0 v11, $0x3;
	v9 =	vor.u32 @!p0 v9, v10;
	v10 =	vand.u32 @!p0 $0x7, v11  }
0xd1: {  	v12 =	vmul.u32 @!p0 $0x8, v12;
	v10 =	vperm.xlane @!p0 v9, v10  }
0xd2: {  	v13 =	vld @!p0 [tilespmem:$0x8190]  }
0xd3: {  	v10 =	vadd.s32 @!p0 v12, v10;
	_ =	sdelay $0x3  }
0xd4: {  	vm1 =	vmmov @!p0 $0xffff;
	s9 =	simm.s32 @!p0 $0xC980;
	s2 =	simm.s32 @!p0 $0x0;
	[tilespmem:$0x8900] =	vst @!p0 v13  }
0xd5: {  	v11 =	vor.u32 @!p0 $0x8, v11;
	[tilespmem:s9], [sflag:$0x2] =	stream.indirect_vreg.gather @!p0 [hbm4b:s5+s2], $0x80, v10, vm1, $0xb8;
	[tilespmem:$0x10980] =	vst v63  }
0xd6: {  	v9 =	vperm.xlane @!p0 v9, v11;
	s9 =	simm.s32 @!p0 $0xD180  }
0xd7: {  	[tilespmem:s9], [sflag:$0x2] =	stream.indirect_vreg.gather @!p0 [hbm4b:s6+s2], $0x80, v10, vm1, $0xb8;
	[tilespmem:$0x10980] =	vst v63  }
0xd8: {  	v9 =	vadd.s32 @!p0 v12, v9;
	s9 =	simm.s32 @!p0 $0xD980  }
0xd9: {  	[tilespmem:s9], [sflag:$0x2] =	stream.indirect_vreg.gather @!p0 [hbm4b:s7+s2], $0x80, v10, vm1, $0xb8;
	[tilespmem:$0x10980] =	vst v63  }
0xda: {  	s9 =	simm.s32 @!p0 $0xE180  }
0xdb: {  	[tilespmem:s9], [sflag:$0x2] =	stream.indirect_vreg.gather @!p0 [hbm4b:s8+s2], $0x80, v10, vm1, $0xb8;
	[tilespmem:$0x10980] =	vst v63  }
0xdc: {  	s9 =	simm.s32 @!p0 $0xE980  }
0xdd: {  	[tilespmem:s9], [sflag:$0x2] =	stream.indirect_vreg.gather @!p0 [hbm4b:s5+s2], $0x80, v9, vm1, $0xb8;
	[tilespmem:$0x10980] =	vst v63  }
0xde: {  	s9 =	simm.s32 @!p0 $0xF180  }
0xdf: {  	[tilespmem:s9], [sflag:$0x2] =	stream.indirect_vreg.gather @!p0 [hbm4b:s6+s2], $0x80, v9, vm1, $0xb8;
	[tilespmem:$0x10980] =	vst v63  }
0xe0: {  	s9 =	simm.s32 @!p0 $0xF980  }
0xe1: {  	[tilespmem:s9], [sflag:$0x2] =	stream.indirect_vreg.gather @!p0 [hbm4b:s7+s2], $0x80, v9, vm1, $0xb8;
	[tilespmem:$0x10980] =	vst v63  }
0xe2: {  	s9 =	simm.s32 @!p0 $0x10180  }
0xe3: {  	[tilespmem:s9], [sflag:$0x2] =	stream.indirect_vreg.gather @!p0 [hbm4b:s8+s2], $0x80, v9, vm1, $0xb8;
	[tilespmem:$0x10980] =	vst v63  }
.LBB2_5:
0xe4: {  	_ =	swait.ge [sflag:s23], $0x8000  }
0xe5: {  	[sflag:s23] =	ssyncset.done $0x0  }
0xe6: {  	[sflag:s23] =	ssyncadd.s32 $0xFFFF8000  }
0xe7: {  	_ =	swait.ge [sflag:s23], $0x8000  }
0xe8: {  	[sflag:s23] =	ssyncset.done $0x0  }
0xe9: {  	[sflag:s23] =	ssyncadd.s32 $0xFFFF8000  }
0xea: {  	_ =	swait.ge [sflag:s23], $0x8000  }
0xeb: {  	[sflag:s23] =	ssyncset.done $0x0  }
0xec: {  	[sflag:s23] =	ssyncadd.s32 $0xFFFF8000  }
0xed: {  	_ =	swait.ge [sflag:s23], $0x8000  }
0xee: {  	[sflag:s23] =	ssyncset.done $0x0  }
0xef: {  	[sflag:s23] =	ssyncadd.s32 $0xFFFF8000  }
0xf0: {  	_ =	swait.ge [sflag:s23], $0x8000  }
0xf1: {  	[sflag:s23] =	ssyncset.done $0x0  }
0xf2: {  	[sflag:s23] =	ssyncadd.s32 $0xFFFF8000  }
0xf3: {  	_ =	swait.ge [sflag:s23], $0x8000  }
0xf4: {  	[sflag:s23] =	ssyncset.done $0x0  }
0xf5: {  	[sflag:s23] =	ssyncadd.s32 $0xFFFF8000  }
0xf6: {  	_ =	swait.ge [sflag:s23], $0x8000  }
0xf7: {  	[sflag:s23] =	ssyncset.done $0x0  }
0xf8: {  	[sflag:s23] =	ssyncadd.s32 $0xFFFF8000  }
0xf9: {  	_ =	swait.ge [sflag:s23], $0x8000  }
0xfa: {  	s21 =	simm.s32 $0x0;
	[sflag:s23] =	ssyncset.done $0x0  }
0xfb: {  	s26 =	simm.s32 $0x81B0;
	s9 =	simm.s32 $0x8330;
	[sflag:s23] =	ssyncadd.s32 $0xFFFF8000  }
.LBB2_6:
0xfc: {  	p0 =	sge.s32 s21, s0  }
0xfd: {  	s2 =	simm.s32 @!p0 $0x1  }
0xfe: {  	_ =	swait.ge @!p0 [sflag:s2], $0x4000  }
0xff: {  	[sflag:s2] =	ssyncset.done @!p0 $0x0  }
0x100: {  	[sflag:s2] =	ssyncadd.s32 @!p0 $0xFFFFC000  }
0x101: {  	v9 =	vld @!p0 [tilespmem:$0x8800];
	_ =	sdelay $0x4  }
0x102: {  	v10 =	vshll.u32 @!p0 v9, $0x3  }
0x103: {  	v11 =	vlaneseq.u32 @!p0;
	v9 =	vand.u32 @!p0 $0x7, v9;
	v10 =	vand.u32 @!p0 $0xFFFFFFC0, v10  }
0x104: {  	v12 =	vshrl.u32 @!p0 v11, $0x3;
	v9 =	vor.u32 @!p0 v9, v10;
	v10 =	vand.u32 @!p0 $0x7, v11  }
0x105: {  	v12 =	vmul.u32 @!p0 $0x8, v12;
	v10 =	vperm.xlane @!p0 v9, v10;
	_ =	sdelay $0x1  }
0x106: {  	v10 =	vadd.s32 @!p0 v12, v10;
	_ =	sdelay $0x3  }
0x107: {  	vm1 =	vmmov @!p0 $0xffff;
	s10 =	simm.s32 @!p0 $0x8980;
	s2 =	simm.s32 @!p0 $0x0  }
0x108: {  	v11 =	vor.u32 @!p0 $0x8, v11;
	[hbm4b:s3+s2] =	stream.indirect_vreg.scatter @!p0 [tilespmem:s10], [sflag:$0x3], $0x80, v10, vm1, $0xb8;
	[tilespmem:$0x10980] =	vst v63  }
0x109: {  	v9 =	vperm.xlane @!p0 v9, v11;
	s10 =	simm.s32 @!p0 $0x9180  }
0x10a: {  	[hbm4b:s18+s2] =	stream.indirect_vreg.scatter @!p0 [tilespmem:s10], [sflag:$0x3], $0x80, v10, vm1, $0xb8;
	[tilespmem:$0x10980] =	vst v63  }
0x10b: {  	v9 =	vadd.s32 @!p0 v12, v9;
	s10 =	simm.s32 @!p0 $0x9980  }
0x10c: {  	[hbm4b:s19+s2] =	stream.indirect_vreg.scatter @!p0 [tilespmem:s10], [sflag:$0x3], $0x80, v10, vm1, $0xb8;
	[tilespmem:$0x10980] =	vst v63  }
0x10d: {  	s10 =	simm.s32 @!p0 $0xA180  }
0x10e: {  	[hbm4b:s20+s2] =	stream.indirect_vreg.scatter @!p0 [tilespmem:s10], [sflag:$0x3], $0x80, v10, vm1, $0xb8;
	[tilespmem:$0x10980] =	vst v63  }
0x10f: {  	s10 =	simm.s32 @!p0 $0xA980  }
0x110: {  	[hbm4b:s3+s2] =	stream.indirect_vreg.scatter @!p0 [tilespmem:s10], [sflag:$0x3], $0x80, v9, vm1, $0xb8;
	[tilespmem:$0x10980] =	vst v63  }
0x111: {  	s10 =	simm.s32 @!p0 $0xB180  }
0x112: {  	[hbm4b:s18+s2] =	stream.indirect_vreg.scatter @!p0 [tilespmem:s10], [sflag:$0x3], $0x80, v9, vm1, $0xb8;
	[tilespmem:$0x10980] =	vst v63  }
0x113: {  	s10 =	simm.s32 @!p0 $0xB980  }
0x114: {  	[hbm4b:s19+s2] =	stream.indirect_vreg.scatter @!p0 [tilespmem:s10], [sflag:$0x3], $0x80, v9, vm1, $0xb8;
	[tilespmem:$0x10980] =	vst v63  }
0x115: {  	s10 =	simm.s32 @!p0 $0xC180  }
0x116: {  	[hbm4b:s20+s2] =	stream.indirect_vreg.scatter @!p0 [tilespmem:s10], [sflag:$0x3], $0x80, v9, vm1, $0xb8;
	[tilespmem:$0x10980] =	vst v63  }
0x117: {  	s10 =	simm.s32 @!p0 $0x3  }
0x118: {  	_ =	swait.ge @!p0 [sflag:s10], $0x4000  }
0x119: {  	s2 =	sadd.s32 $0x20, s21;
	[sflag:s10] =	ssyncset.done @!p0 $0x0  }
0x11a: {  	[sflag:s10] =	ssyncadd.s32 @!p0 $0xFFFFC000;
	p0 =	sge.s32 s2, s0  }
0x11b: {  	v9 =	vld @!p0 [tilespmem:s9+$0xFFFFFFF0];
	_ =	sdelay $0x4  }
0x11c: {  	[tilespmem:$0x8780] =	vst @!p0 v9  }
0x11d: {  	v9 =	vld @!p0 [tilespmem:$0x8780];
	_ =	sdelay $0x4  }
0x11e: {  	v10 =	vshll.u32 @!p0 v9, $0x3  }
0x11f: {  	v11 =	vlaneseq.u32 @!p0;
	v9 =	vand.u32 @!p0 $0x7, v9;
	v10 =	vand.u32 @!p0 $0xFFFFFFC0, v10  }
0x120: {  	v12 =	vshrl.u32 @!p0 v11, $0x3;
	v9 =	vor.u32 @!p0 v9, v10;
	v10 =	vand.u32 @!p0 $0x7, v11  }
0x121: {  	v12 =	vmul.u32 @!p0 $0x8, v12;
	v10 =	vperm.xlane @!p0 v9, v10  }
0x122: {  	v13 =	vld @!p0 [tilespmem:s26+$0xFFFFFFF0]  }
0x123: {  	v10 =	vadd.s32 @!p0 v12, v10;
	_ =	sdelay $0x3  }
0x124: {  	vm1 =	vmmov @!p0 $0xffff;
	s10 =	simm.s32 @!p0 $0x0;
	s11 =	simm.s32 @!p0 $0x8980;
	[tilespmem:$0x8800] =	vst @!p0 v13  }
0x125: {  	v11 =	vor.u32 @!p0 $0x8, v11;
	[tilespmem:s11], [sflag:$0x1] =	stream.indirect_vreg.gather @!p0 [hbm4b:s5+s10], $0x80, v10, vm1, $0xb8;
	[tilespmem:$0x10980] =	vst v63  }
0x126: {  	v9 =	vperm.xlane @!p0 v9, v11;
	s11 =	simm.s32 @!p0 $0x9180  }
0x127: {  	[tilespmem:s11], [sflag:$0x1] =	stream.indirect_vreg.gather @!p0 [hbm4b:s6+s10], $0x80, v10, vm1, $0xb8;
	[tilespmem:$0x10980] =	vst v63  }
0x128: {  	v9 =	vadd.s32 @!p0 v12, v9;
	s11 =	simm.s32 @!p0 $0x9980  }
0x129: {  	[tilespmem:s11], [sflag:$0x1] =	stream.indirect_vreg.gather @!p0 [hbm4b:s7+s10], $0x80, v10, vm1, $0xb8;
	[tilespmem:$0x10980] =	vst v63  }
0x12a: {  	s11 =	simm.s32 @!p0 $0xA180  }
0x12b: {  	[tilespmem:s11], [sflag:$0x1] =	stream.indirect_vreg.gather @!p0 [hbm4b:s8+s10], $0x80, v10, vm1, $0xb8;
	[tilespmem:$0x10980] =	vst v63  }
0x12c: {  	s11 =	simm.s32 @!p0 $0xA980  }
0x12d: {  	[tilespmem:s11], [sflag:$0x1] =	stream.indirect_vreg.gather @!p0 [hbm4b:s5+s10], $0x80, v9, vm1, $0xb8;
	[tilespmem:$0x10980] =	vst v63  }
0x12e: {  	s11 =	simm.s32 @!p0 $0xB180  }
0x12f: {  	[tilespmem:s11], [sflag:$0x1] =	stream.indirect_vreg.gather @!p0 [hbm4b:s6+s10], $0x80, v9, vm1, $0xb8;
	[tilespmem:$0x10980] =	vst v63  }
0x130: {  	s11 =	simm.s32 @!p0 $0xB980  }
0x131: {  	[tilespmem:s11], [sflag:$0x1] =	stream.indirect_vreg.gather @!p0 [hbm4b:s7+s10], $0x80, v9, vm1, $0xb8;
	[tilespmem:$0x10980] =	vst v63  }
0x132: {  	s11 =	simm.s32 @!p0 $0xC180  }
0x133: {  	[tilespmem:s11], [sflag:$0x1] =	stream.indirect_vreg.gather @!p0 [hbm4b:s8+s10], $0x80, v9, vm1, $0xb8;
	[tilespmem:$0x10980] =	vst v63  }
0x134: {  	s11 =	sadd.s32 $0x10, s21  }
0x135: {  	p0 =	sge.s32 s11, s0  }
0x136: {  	s10 =	simm.s32 @!p0 $0x2  }
0x137: {  	_ =	swait.ge @!p0 [sflag:s10], $0x4000  }
0x138: {  	[sflag:s10] =	ssyncset.done @!p0 $0x0  }
0x139: {  	[sflag:s10] =	ssyncadd.s32 @!p0 $0xFFFFC000  }
0x13a: {  	v9 =	vld @!p0 [tilespmem:$0x8900];
	_ =	sdelay $0x4  }
0x13b: {  	v10 =	vshll.u32 @!p0 v9, $0x3  }
0x13c: {  	v11 =	vlaneseq.u32 @!p0;
	v9 =	vand.u32 @!p0 $0x7, v9;
	v10 =	vand.u32 @!p0 $0xFFFFFFC0, v10  }
0x13d: {  	v12 =	vshrl.u32 @!p0 v11, $0x3;
	v9 =	vor.u32 @!p0 v9, v10;
	v10 =	vand.u32 @!p0 $0x7, v11  }
0x13e: {  	v12 =	vmul.u32 @!p0 $0x8, v12;
	v10 =	vperm.xlane @!p0 v9, v10;
	_ =	sdelay $0x1  }
0x13f: {  	v10 =	vadd.s32 @!p0 v12, v10;
	_ =	sdelay $0x3  }
0x140: {  	vm1 =	vmmov @!p0 $0xffff;
	s11 =	simm.s32 @!p0 $0xC980;
	s10 =	simm.s32 @!p0 $0x0  }
0x141: {  	v11 =	vor.u32 @!p0 $0x8, v11;
	[hbm4b:s3+s10] =	stream.indirect_vreg.scatter @!p0 [tilespmem:s11], [sflag:$0x3], $0x80, v10, vm1, $0xb8;
	[tilespmem:$0x10980] =	vst v63  }
0x142: {  	v9 =	vperm.xlane @!p0 v9, v11;
	s11 =	simm.s32 @!p0 $0xD180  }
0x143: {  	[hbm4b:s18+s10] =	stream.indirect_vreg.scatter @!p0 [tilespmem:s11], [sflag:$0x3], $0x80, v10, vm1, $0xb8;
	[tilespmem:$0x10980] =	vst v63  }
0x144: {  	v9 =	vadd.s32 @!p0 v12, v9;
	s11 =	simm.s32 @!p0 $0xD980  }
0x145: {  	[hbm4b:s19+s10] =	stream.indirect_vreg.scatter @!p0 [tilespmem:s11], [sflag:$0x3], $0x80, v10, vm1, $0xb8;
	[tilespmem:$0x10980] =	vst v63  }
0x146: {  	s11 =	simm.s32 @!p0 $0xE180  }
0x147: {  	[hbm4b:s20+s10] =	stream.indirect_vreg.scatter @!p0 [tilespmem:s11], [sflag:$0x3], $0x80, v10, vm1, $0xb8;
	[tilespmem:$0x10980] =	vst v63  }
0x148: {  	s11 =	simm.s32 @!p0 $0xE980  }
0x149: {  	[hbm4b:s3+s10] =	stream.indirect_vreg.scatter @!p0 [tilespmem:s11], [sflag:$0x3], $0x80, v9, vm1, $0xb8;
	[tilespmem:$0x10980] =	vst v63  }
0x14a: {  	s11 =	simm.s32 @!p0 $0xF180  }
0x14b: {  	[hbm4b:s18+s10] =	stream.indirect_vreg.scatter @!p0 [tilespmem:s11], [sflag:$0x3], $0x80, v9, vm1, $0xb8;
	[tilespmem:$0x10980] =	vst v63  }
0x14c: {  	s11 =	simm.s32 @!p0 $0xF980  }
0x14d: {  	[hbm4b:s19+s10] =	stream.indirect_vreg.scatter @!p0 [tilespmem:s11], [sflag:$0x3], $0x80, v9, vm1, $0xb8;
	[tilespmem:$0x10980] =	vst v63  }
0x14e: {  	s11 =	simm.s32 @!p0 $0x10180  }
0x14f: {  	[hbm4b:s20+s10] =	stream.indirect_vreg.scatter @!p0 [tilespmem:s11], [sflag:$0x3], $0x80, v9, vm1, $0xb8;
	[tilespmem:$0x10980] =	vst v63  }
0x150: {  	s10 =	simm.s32 @!p0 $0x3  }
0x151: {  	_ =	swait.ge @!p0 [sflag:s10], $0x4000  }
0x152: {  	s21 =	sadd.s32 $0x30, s21;
	[sflag:s10] =	ssyncset.done @!p0 $0x0  }
0x153: {  	[sflag:s10] =	ssyncadd.s32 @!p0 $0xFFFFC000;
	p0 =	sge.s32 s21, s0  }
0x154: {  	v9 =	vld @!p0 [tilespmem:s9+$0x0];
	_ =	sdelay $0x4  }
0x155: {  	[tilespmem:$0x8880] =	vst @!p0 v9  }
0x156: {  	v9 =	vld @!p0 [tilespmem:$0x8880];
	_ =	sdelay $0x4  }
0x157: {  	v10 =	vshll.u32 @!p0 v9, $0x3  }
0x158: {  	v11 =	vlaneseq.u32 @!p0;
	v9 =	vand.u32 @!p0 $0x7, v9;
	v10 =	vand.u32 @!p0 $0xFFFFFFC0, v10  }
0x159: {  	v12 =	vshrl.u32 @!p0 v11, $0x3;
	v9 =	vor.u32 @!p0 v9, v10;
	v10 =	vand.u32 @!p0 $0x7, v11  }
0x15a: {  	v12 =	vmul.u32 @!p0 $0x8, v12;
	v10 =	vperm.xlane @!p0 v9, v10  }
0x15b: {  	v13 =	vld @!p0 [tilespmem:s26+$0x0]  }
0x15c: {  	v10 =	vadd.s32 @!p0 v12, v10;
	_ =	sdelay $0x3  }
0x15d: {  	vm1 =	vmmov @!p0 $0xffff;
	s10 =	simm.s32 @!p0 $0x0;
	s11 =	simm.s32 @!p0 $0xC980;
	[tilespmem:$0x8900] =	vst @!p0 v13  }
0x15e: {  	v11 =	vor.u32 @!p0 $0x8, v11;
	[tilespmem:s11], [sflag:$0x2] =	stream.indirect_vreg.gather @!p0 [hbm4b:s5+s10], $0x80, v10, vm1, $0xb8;
	[tilespmem:$0x10980] =	vst v63  }
0x15f: {  	v9 =	vperm.xlane @!p0 v9, v11;
	s11 =	simm.s32 @!p0 $0xD180  }
0x160: {  	[tilespmem:s11], [sflag:$0x2] =	stream.indirect_vreg.gather @!p0 [hbm4b:s6+s10], $0x80, v10, vm1, $0xb8;
	[tilespmem:$0x10980] =	vst v63  }
0x161: {  	v9 =	vadd.s32 @!p0 v12, v9;
	s11 =	simm.s32 @!p0 $0xD980  }
0x162: {  	[tilespmem:s11], [sflag:$0x2] =	stream.indirect_vreg.gather @!p0 [hbm4b:s7+s10], $0x80, v10, vm1, $0xb8;
	[tilespmem:$0x10980] =	vst v63  }
0x163: {  	s11 =	simm.s32 @!p0 $0xE180  }
0x164: {  	[tilespmem:s11], [sflag:$0x2] =	stream.indirect_vreg.gather @!p0 [hbm4b:s8+s10], $0x80, v10, vm1, $0xb8;
	[tilespmem:$0x10980] =	vst v63  }
0x165: {  	s11 =	simm.s32 @!p0 $0xE980  }
0x166: {  	[tilespmem:s11], [sflag:$0x2] =	stream.indirect_vreg.gather @!p0 [hbm4b:s5+s10], $0x80, v9, vm1, $0xb8;
	[tilespmem:$0x10980] =	vst v63  }
0x167: {  	s11 =	simm.s32 @!p0 $0xF180  }
0x168: {  	[tilespmem:s11], [sflag:$0x2] =	stream.indirect_vreg.gather @!p0 [hbm4b:s6+s10], $0x80, v9, vm1, $0xb8;
	[tilespmem:$0x10980] =	vst v63  }
0x169: {  	s11 =	simm.s32 @!p0 $0xF980  }
0x16a: {  	[tilespmem:s11], [sflag:$0x2] =	stream.indirect_vreg.gather @!p0 [hbm4b:s7+s10], $0x80, v9, vm1, $0xb8;
	[tilespmem:$0x10980] =	vst v63  }
0x16b: {  	s11 =	simm.s32 @!p0 $0x10180  }
0x16c: {  	[tilespmem:s11], [sflag:$0x2] =	stream.indirect_vreg.gather @!p0 [hbm4b:s8+s10], $0x80, v9, vm1, $0xb8;
	[tilespmem:$0x10980] =	vst v63  }
0x16d: {  	p0 =	sne.s32 s2, $0x100  }
.Ltmp4:
0x16e: {  	_ = 	snop;
	(pc) =	sbr.rel @p0 .LBB2_6-.Ltmp4, $2  }
0x16f: {  	_ =	sdelay $0x2  }
0x170: {  	s21 =	smov.u32 s2;
	s9 =	sadd.s32 $0x20, s9;
	s26 =	sadd.s32 $0x20, s26  }
0x171: {  	s0 =	rddreg [dreg:$0x10]  }
0x172: {  	s0 =	sadd.s32 $0xF, s0  }
0x173: {  	p0 =	slt.s32 s0, $0x10  }
.Ltmp5:
0x174: {  	_ = 	snop;
	(pc) =	sbr.rel @p0 .LBB2_10-.Ltmp5, $2  }
0x175: {  	_ =	sdelay $0x2  }
0x176: {  	s10 =	rddreg [dreg:$0x1];
	s11 =	simm.s32 $0x8980;
	s21 =	simm.s32 $0x9180  }
0x177: {  	s2 =	sshra.s32 s0, $0x1F  }
0x178: {  	s2 =	sshrl.u32 s2, $0x1C  }
0x179: {  	s26 =	sadd.s32 s2, s0  }
0x17a: {  	s9 =	simm.s32 $0x8480;
	s2 =	simm.s32 $0x8600;
	s0 =	sshra.s32 s26, $0x4  }
.LBB2_9:
0x17b: {  	v9 =	vld [tilespmem:s2+$0x0];
	_ =	sdelay $0x4  }
0x17c: {  	[tilespmem:$0x8780] =	vst v9  }
0x17d: {  	v9 =	vld [tilespmem:$0x8780];
	_ =	sdelay $0x4  }
0x17e: {  	v10 =	vshll.u32 v9, $0x3  }
0x17f: {  	v9 =	vand.u32 $0x7, v9;
	v10 =	vand.u32 $0xFFFFFFC0, v10  }
0x180: {  	v9 =	vor.u32 v9, v10  }
0x181: {  	v10 =	vperm.xlane v9, v2  }
0x182: {  	v11 =	vld [tilespmem:s9+$0x0]  }
0x183: {  	v10 =	vadd.s32 v3, v10;
	_ =	sdelay $0x3  }
0x184: {  	[tilespmem:$0x8800] =	vst v11  }
0x185: {  	[tilespmem:s11], [sflag:$0x1] =	stream.indirect_vreg.gather [hbm4b:s10+s4], $0x80, v10, vm0, $0xb8;
	[tilespmem:$0x10980] =	vst v63  }
0x186: {  	v9 =	vperm.xlane v9, v4  }
0x187: {  	[tilespmem:s21], [sflag:$0x1] =	stream.indirect_vreg.gather [hbm4b:s22+s4], $0x80, v10, vm0, $0xb8;
	[tilespmem:$0x10980] =	vst v63  }
0x188: {  	v9 =	vadd.s32 v3, v9  }
0x189: {  	[tilespmem:s12], [sflag:$0x1] =	stream.indirect_vreg.gather [hbm4b:s24+s4], $0x80, v10, vm0, $0xb8;
	[tilespmem:$0x10980] =	vst v63  }
0x18a: {  	_ = 	snop  }
0x18b: {  	[tilespmem:s13], [sflag:$0x1] =	stream.indirect_vreg.gather [hbm4b:s25+s4], $0x80, v10, vm0, $0xb8;
	[tilespmem:$0x10980] =	vst v63  }
0x18c: {  	_ = 	snop  }
0x18d: {  	[tilespmem:s14], [sflag:$0x1] =	stream.indirect_vreg.gather [hbm4b:s10+s4], $0x80, v9, vm0, $0xb8;
	[tilespmem:$0x10980] =	vst v63  }
0x18e: {  	_ = 	snop  }
0x18f: {  	[tilespmem:s15], [sflag:$0x1] =	stream.indirect_vreg.gather [hbm4b:s22+s4], $0x80, v9, vm0, $0xb8;
	[tilespmem:$0x10980] =	vst v63  }
0x190: {  	_ = 	snop  }
0x191: {  	[tilespmem:s16], [sflag:$0x1] =	stream.indirect_vreg.gather [hbm4b:s24+s4], $0x80, v9, vm0, $0xb8;
	[tilespmem:$0x10980] =	vst v63  }
0x192: {  	_ = 	snop  }
0x193: {  	[tilespmem:s17], [sflag:$0x1] =	stream.indirect_vreg.gather [hbm4b:s25+s4], $0x80, v9, vm0, $0xb8;
	[tilespmem:$0x10980] =	vst v63  }
0x194: {  	_ =	swait.ge [sflag:s28], $0x4000  }
0x195: {  	[sflag:s28] =	ssyncset.done $0x0  }
0x196: {  	[sflag:s28] =	ssyncadd.s32 $0xFFFFC000  }
0x197: {  	v9 =	vld [tilespmem:$0x8800];
	_ =	sdelay $0x4  }
0x198: {  	v10 =	vshll.u32 v9, $0x3  }
0x199: {  	v9 =	vand.u32 $0x7, v9;
	v10 =	vand.u32 $0xFFFFFFC0, v10  }
0x19a: {  	v9 =	vor.u32 v9, v10  }
0x19b: {  	v10 =	vperm.xlane v9, v2;
	_ =	sdelay $0x1  }
0x19c: {  	v10 =	vadd.s32 v3, v10;
	_ =	sdelay $0x4  }
0x19d: {  	[hbm4b:s3+s4] =	stream.indirect_vreg.scatter [tilespmem:s11], [sflag:$0x3], $0x80, v10, vm0, $0xb8;
	[tilespmem:$0x10980] =	vst v63  }
0x19e: {  	v9 =	vperm.xlane v9, v4  }
0x19f: {  	[hbm4b:s18+s4] =	stream.indirect_vreg.scatter [tilespmem:s21], [sflag:$0x3], $0x80, v10, vm0, $0xb8;
	[tilespmem:$0x10980] =	vst v63  }
0x1a0: {  	v9 =	vadd.s32 v3, v9  }
0x1a1: {  	[hbm4b:s19+s4] =	stream.indirect_vreg.scatter [tilespmem:s12], [sflag:$0x3], $0x80, v10, vm0, $0xb8;
	[tilespmem:$0x10980] =	vst v63  }
0x1a2: {  	_ = 	snop  }
0x1a3: {  	[hbm4b:s20+s4] =	stream.indirect_vreg.scatter [tilespmem:s13], [sflag:$0x3], $0x80, v10, vm0, $0xb8;
	[tilespmem:$0x10980] =	vst v63  }
0x1a4: {  	_ = 	snop  }
0x1a5: {  	[hbm4b:s3+s4] =	stream.indirect_vreg.scatter [tilespmem:s14], [sflag:$0x3], $0x80, v9, vm0, $0xb8;
	[tilespmem:$0x10980] =	vst v63  }
0x1a6: {  	_ = 	snop  }
0x1a7: {  	[hbm4b:s18+s4] =	stream.indirect_vreg.scatter [tilespmem:s15], [sflag:$0x3], $0x80, v9, vm0, $0xb8;
	[tilespmem:$0x10980] =	vst v63  }
0x1a8: {  	p0 =	sne.s32 s0, $0x1  }
0x1a9: {  	[hbm4b:s19+s4] =	stream.indirect_vreg.scatter [tilespmem:s16], [sflag:$0x3], $0x80, v9, vm0, $0xb8;
	[tilespmem:$0x10980] =	vst v63  }
.Ltmp6:
0x1aa: {  	_ = 	snop;
	(pc) =	sbr.rel @p0 .LBB2_9-.Ltmp6, $4  }
0x1ab: {  	[hbm4b:s20+s4] =	stream.indirect_vreg.scatter [tilespmem:s17], [sflag:$0x3], $0x80, v9, vm0, $0xb8;
	[tilespmem:$0x10980] =	vst v63  }
0x1ac: {  	_ =	swait.ge [sflag:s23], $0x4000  }
0x1ad: {  	s2 =	sadd.s32 $0x10, s2;
	[sflag:s23] =	ssyncset.done $0x0  }
0x1ae: {  	s0 =	sadd.s32 $0xFFFFFFFF, s0;
	s9 =	sadd.s32 $0x10, s9;
	[sflag:s23] =	ssyncadd.s32 $0xFFFFC000  }
.Ltmp7:
0x1af: {  	_ = 	snop;
	(pc) =	sbr.rel .LBB2_10-.Ltmp7, $1  }
0x1b0: {  	_ =	sdelay $0x3  }
.LBB2_11:
0x1b1: {  	_ =	sfence.sel $0x180000  }
0x1b2: {  	[bflag:$0x0] =	sbarrier.arrive $0xFFFF  }
0x1b3: {  	_ =	strace $0x90000047  }
0x1b4: {  	s0 =	stileid.u32;
	[bflag:$0x2] =	sbarrier.arrive $0xFFFF  }
0x1b5: {  	p0 =	sne.s32 s0, $0x0;
	s0 =	rddreg [dreg:$0x3]  }
0x1b6: {  	s0 =	sadd.s32 @!p0 $0x100000, s0  }
0x1b7: {  	[sflag:s0] =	ssyncadd.tile.s32 @!p0 $0x1;
	_ =	shalt  }
.Lfunc_end2:
_tile_overlayer_lowered:
.L_overlay_start_2:
0x1b8: {  	(tag) =	ssettag $0x2  }
0x1b9: {  	s0 =	rddreg [dreg:$0x0];
	s2 =	stileid.u32  }
0x1ba: {  	s1 =	rddreg [dreg:$0x1];
	p0 =	sne.s32 s2, $0x0  }
0x1bb: {  	s3 =	rddreg [dreg:$0x2];
	[bflag:$0x3] =	sbarrier.arrive $0xFFFF;
	s2 =	simm.s32 @!p0 $0x1C04  }
0x1bc: {  	[timem:s3], [sflag:s2] =	dma.local @!p0 [hbm:s0], s1  }
0x1bd: {  	s0 =	simm.s32 @!p0 $0x4  }
0x1be: {  	_ =	swait.ge @!p0 [sflag:s0], s1  }
0x1bf: {  	s1 =	ssub.s32 @!p0 $0x0, s1;
	[sflag:s0] =	ssyncset.done @!p0 $0x0  }
0x1c0: {  	[sflag:s0] =	ssyncadd.s32 @!p0 s1  }
0x1c1: {  	[bflag:$0x3] =	sbarrier.arrive $0xFFFF  }
0x1c2: {  	_ =	shalt  }

</sc_bundles>
